<compile_context>
chip_gen: v7x
topology: tpu7x:2x2x1
jax: 0.10.2.dev20260603
libtpu: 0.0.44.dev20260713+nightly
codegen_flags: <defaults>
</compile_context>

<pallas_src>
import numpy as np
import jax
import jax.numpy as jnp
from jax.experimental import pallas as pl
from jax.experimental.pallas import tpu as pltpu

_FEAT_STRIDE = 16
_IMAGE_SIZE = 1920
_NMS_POST = 2000
_THRESH = 0.6
_MAP_H = 120
_MAP_W = 120
_NPAD = 2048


def _base_anchors():
    base_size = 16
    ratios = np.array([0.5, 1.0, 2.0])
    scales = np.array([8.0, 16.0, 32.0])
    ctr = 0.5 * (base_size - 1)

    def mk(ws, hs, x_ctr, y_ctr):
        ws = np.asarray(ws, dtype=np.float64)[:, None]
        hs = np.asarray(hs, dtype=np.float64)[:, None]
        return np.hstack((x_ctr - 0.5 * (ws - 1), y_ctr - 0.5 * (hs - 1),
                          x_ctr + 0.5 * (ws - 1), y_ctr + 0.5 * (hs - 1)))

    size = float(base_size) * float(base_size)
    ws = np.round(np.sqrt(size / ratios))
    hs = np.round(ws * ratios)
    ratio_anchors = mk(ws, hs, ctr, ctr)
    out = []
    for ra in ratio_anchors:
        aw = ra[2] - ra[0] + 1.0
        ah = ra[3] - ra[1] + 1.0
        axc = ra[0] + 0.5 * (aw - 1)
        ayc = ra[1] + 0.5 * (ah - 1)
        out.append(mk(aw * scales, ah * scales, axc, ayc))
    return np.vstack(out).astype(np.float32)


def _grid_anchors():
    anchors = _base_anchors()
    shift_x = (np.arange(_MAP_W) * _FEAT_STRIDE).astype(np.float32)
    shift_y = (np.arange(_MAP_H) * _FEAT_STRIDE).astype(np.float32)
    sx, sy = np.meshgrid(shift_x, shift_y)
    shifts = np.stack((sx.ravel(), sy.ravel(), sx.ravel(), sy.ravel()), axis=1)
    return (anchors[None, :, :] + shifts[:, None, :]).reshape(-1, 4)


_ANCHORS = _grid_anchors()


def _decode_body(feats_ref, out_ref):
    dx = feats_ref[:, 0]
    dy = feats_ref[:, 1]
    dw = feats_ref[:, 2]
    dh = feats_ref[:, 3]
    ax1 = feats_ref[:, 4]
    ay1 = feats_ref[:, 5]
    ax2 = feats_ref[:, 6]
    ay2 = feats_ref[:, 7]

    w = ax2 - ax1 + 1.0
    h = ay2 - ay1 + 1.0
    cx = ax1 + 0.5 * w
    cy = ay1 + 0.5 * h
    pcx = dx * w + cx
    pcy = dy * h + cy
    pw = jnp.exp(dw) * w
    ph = jnp.exp(dh) * h
    hi = float(_IMAGE_SIZE - 1)
    x1 = jnp.clip(pcx - 0.5 * pw, 0.0, hi)
    y1 = jnp.clip(pcy - 0.5 * ph, 0.0, hi)
    x2 = jnp.clip(pcx + 0.5 * pw, 0.0, hi)
    y2 = jnp.clip(pcy + 0.5 * ph, 0.0, hi)
    out_ref[:, 0] = x1
    out_ref[:, 1] = y1
    out_ref[:, 2] = x2
    out_ref[:, 3] = y2
    out_ref[:, 4] = (x2 - x1 + 1.0) * (y2 - y1 + 1.0)


def _nms_body(vec_ref, col_ref, out_ref):
    x1 = vec_ref[0]
    y1 = vec_ref[1]
    x2 = vec_ref[2]
    y2 = vec_ref[3]
    areas = vec_ref[4]

    idx = (jax.lax.broadcasted_iota(jnp.int32, (16, 128), 0) * 128
           + jax.lax.broadcasted_iota(jnp.int32, (16, 128), 1))
    lane = jax.lax.broadcasted_iota(jnp.int32, (1, 128), 1)
    keep0 = (idx < _NMS_POST).astype(jnp.float32)

    out_ref[...] = jnp.zeros((_NPAD, 128), jnp.float32)

    def body(i, carry):
        cnt, keep = carry
        xi1 = col_ref[0, i]
        yi1 = col_ref[1, i]
        xi2 = col_ref[2, i]
        yi2 = col_ref[3, i]
        ai = col_ref[4, i]
        ki = jnp.sum(keep * (idx == i).astype(jnp.float32))
        kept = ki > 0.5
        iw = jnp.maximum(jnp.minimum(x2, xi2) - jnp.maximum(x1, xi1) + 1.0, 0.0)
        ih = jnp.maximum(jnp.minimum(y2, yi2) - jnp.maximum(y1, yi1) + 1.0, 0.0)
        inter = iw * ih
        iou = inter / (ai + areas - inter)
        sup = (iou > _THRESH) & (idx > i) & kept
        keep = jnp.where(sup, 0.0, keep)
        row = jnp.where(lane == 0, xi1,
              jnp.where(lane == 1, yi1,
              jnp.where(lane == 2, xi2,
              jnp.where(lane == 3, yi2, 0.0)))) * ki
        out_ref[pl.ds(cnt, 1), :] = row
        return cnt + kept.astype(jnp.int32), keep

    jax.lax.fori_loop(0, _NMS_POST, body, (jnp.int32(0), keep0))


def kernel(cls_scores, bbox_preds):
    batch = cls_scores.shape[0]
    hw = _MAP_H * _MAP_W
    scores = jnp.transpose(cls_scores[..., 0], (0, 2, 3, 1)).reshape(batch, -1)
    _, order_m = jax.lax.top_k(scores, _NMS_POST)
    order_j = (order_m % 9) * hw + order_m // 9

    deltas = bbox_preds.reshape(batch, -1, 4)
    d_sel = jnp.take_along_axis(deltas, order_j[..., None], axis=1)
    a_sel = jnp.asarray(_ANCHORS)[order_m]

    feats = jnp.concatenate(
        (jnp.moveaxis(d_sel, -1, 1), jnp.moveaxis(a_sel, -1, 1)), axis=1
    )
    feats = jnp.pad(feats, ((0, 0), (0, 0), (0, _NPAD - _NMS_POST)))
    feats = feats.reshape(batch, 8, 16, 128)

    coords = pl.pallas_call(
        _decode_body,
        out_shape=jax.ShapeDtypeStruct((batch, 5, 16, 128), jnp.float32),
    )(feats)
    coords_flat = coords.reshape(batch, 5, _NPAD)

    out = pl.pallas_call(
        _nms_body,
        grid=(batch,),
        in_specs=[
            pl.BlockSpec((None, 5, 16, 128), lambda b: (b, 0, 0, 0)),
            pl.BlockSpec((None, 5, _NPAD), lambda b: (b, 0, 0),
                         memory_space=pltpu.SMEM),
        ],
        out_specs=pl.BlockSpec((None, _NPAD, 128), lambda b: (b, 0, 0)),
        out_shape=jax.ShapeDtypeStruct((batch, _NPAD, 128), jnp.float32),
    )(coords, coords_flat)

    boxes = out[:, :_NMS_POST, :4]
    bidx = jnp.broadcast_to(
        jnp.arange(batch, dtype=jnp.float32)[:, None, None],
        (batch, _NMS_POST, 1))
    return jnp.concatenate((bidx, boxes), axis=-1)

# --- scband reference (transcript-rebuilt; emitter-appended) ---
"""Pipeline reference for scband-proposal-layer-34763465294052 (READ-ONLY COPY).

The authoritative reference and input builder live on the scoring server;
editing this copy changes nothing except your own understanding.
"""

import jax, jax.numpy as jnp
import numpy as np

FEAT_STRIDE = 16
IMAGE_SIZE = 1920
NMS_PRE = 6000
NMS_POST = 2000
THRESHOLD = 0.6
RATIOS = np.array([0.5, 1.0, 2.0])
SCALES = np.array([8.0, 16.0, 32.0])
BATCH = 2
MAP_H = 120
MAP_W = 120


def _mkanchors(ws, hs, x_ctr, y_ctr):
    ws = np.asarray(ws, dtype=np.float64)[:, None]
    hs = np.asarray(hs, dtype=np.float64)[:, None]
    return np.hstack((x_ctr - 0.5 * (ws - 1), y_ctr - 0.5 * (hs - 1),
                      x_ctr + 0.5 * (ws - 1), y_ctr + 0.5 * (hs - 1)))


def generate_anchors(base_size=16, ratios=RATIOS, scales=SCALES):
    w = h = float(base_size)
    x_ctr = y_ctr = 0.5 * (base_size - 1)
    size = w * h
    ws = np.round(np.sqrt(size / ratios))
    hs = np.round(ws * ratios)
    ratio_anchors = _mkanchors(ws, hs, x_ctr, y_ctr)
    out = []
    for ra in ratio_anchors:
        aw = ra[2] - ra[0] + 1.0
        ah = ra[3] - ra[1] + 1.0
        axc = ra[0] + 0.5 * (aw - 1)
        ayc = ra[1] + 0.5 * (ah - 1)
        out.append(_mkanchors(aw * scales, ah * scales, axc, ayc))
    return np.vstack(out).astype(np.float32)


def _all_anchors():
    anchors = generate_anchors()  # [A, 4]
    shift_x = (np.arange(MAP_W) * FEAT_STRIDE).astype(np.float32)
    shift_y = (np.arange(MAP_H) * FEAT_STRIDE).astype(np.float32)
    sx, sy = np.meshgrid(shift_x, shift_y)  # [H, W]
    shifts = np.stack((sx.ravel(), sy.ravel(), sx.ravel(), sy.ravel()), axis=1)  # [H*W, 4]
    all_a = (anchors[None, :, :] + shifts[:, None, :]).reshape(-1, 4)  # [H*W*A, 4]
    return jnp.asarray(all_a, dtype=jnp.float32)


def setup_inputs(seed: int = 0) -> dict:
    key = jax.random.key(seed)
    k1, k2 = jax.random.split(key)
    cls_scores = jax.random.normal(k1, (BATCH, 9, MAP_H, MAP_W, 2), dtype=jnp.float32)
    bbox_preds = jax.random.normal(k2, (BATCH, 9, MAP_H, MAP_W, 4), dtype=jnp.float32)
    return {"cls_scores": cls_scores, "bbox_preds": bbox_preds}


def _nms_keep(boxes, thresh):
    x1, y1, x2, y2 = boxes[:, 0], boxes[:, 1], boxes[:, 2], boxes[:, 3]
    areas = (x2 - x1 + 1.0) * (y2 - y1 + 1.0)
    xx1 = jnp.maximum(x1[:, None], x1[None, :])
    yy1 = jnp.maximum(y1[:, None], y1[None, :])
    xx2 = jnp.minimum(x2[:, None], x2[None, :])
    yy2 = jnp.minimum(y2[:, None], y2[None, :])
    w = jnp.maximum(0.0, xx2 - xx1 + 1.0)
    h = jnp.maximum(0.0, yy2 - yy1 + 1.0)
    inter = w * h
    iou = inter / (areas[:, None] + areas[None, :] - inter)
    n = boxes.shape[0]
    idx = jnp.arange(n)

    def body(i, keep):
        suppress = (iou[i] > thresh) & (idx > i) & keep[i]
        return keep & jnp.logical_not(suppress)

    return jax.lax.fori_loop(0, n, body, jnp.ones((n,), dtype=bool))


def _forward(cls_scores, bbox_preds):
    batch = cls_scores.shape[0]
    anchors = _all_anchors()  # [M, 4], constant
    # [N, K, H, W, 4] -> [N, H, W, K, 4] -> [N, M, 4]
    deltas = jnp.transpose(bbox_preds, (0, 2, 3, 1, 4)).reshape(batch, -1, 4)
    # foreground score channel 0, same anchor ordering
    scores = jnp.transpose(cls_scores[..., 0], (0, 2, 3, 1)).reshape(batch, -1)
    widths = anchors[:, 2] - anchors[:, 0] + 1.0
    heights = anchors[:, 3] - anchors[:, 1] + 1.0
    ctr_x = anchors[:, 0] + 0.5 * widths
    ctr_y = anchors[:, 1] + 0.5 * heights
    dx, dy, dw, dh = deltas[..., 0], deltas[..., 1], deltas[..., 2], deltas[..., 3]
    pcx = dx * widths + ctr_x
    pcy = dy * heights + ctr_y
    pw = jnp.exp(dw) * widths
    ph = jnp.exp(dh) * heights
    proposals = jnp.stack((pcx - 0.5 * pw, pcy - 0.5 * ph,
                           pcx + 0.5 * pw, pcy + 0.5 * ph), axis=-1)
    proposals = jnp.clip(proposals, 0.0, float(IMAGE_SIZE - 1))
    # descending score order; torch code pre-cuts to NMS_POST before NMS
    order = jnp.argsort(-scores, axis=1)[:, :NMS_POST]

    def per_image(props_i, order_i):
        p = props_i[order_i]  # [NMS_POST, 4], sorted by score desc
        keep = _nms_keep(jax.lax.stop_gradient(p), THRESHOLD)
        n = p.shape[0]
        idx = jnp.arange(n)
        # unique keys: kept boxes first, original (score) order preserved
        perm = jnp.argsort(jnp.where(keep, idx, n + idx))
        p_kept = p[perm]
        num = jnp.minimum(keep.sum(), NMS_POST)
        valid = jnp.arange(NMS_POST) < num
        return jnp.where(valid[:, None], p_kept[:NMS_POST], 0.0)

    boxes_out = jax.vmap(per_image)(proposals, order)
    batch_idx = jnp.broadcast_to(
        jnp.arange(batch, dtype=jnp.float32)[:, None, None], (batch, NMS_POST, 1))
    return jnp.concatenate((batch_idx, boxes_out), axis=-1)  # [N, NMS_POST, 5]


def reference(cls_scores, bbox_preds):
    return _forward(cls_scores, bbox_preds)

if __name__ == "__main__":
    import jax
    _d = setup_inputs()
    print(jax.jit(kernel)(*tuple(_d.values())))

</pallas_src>

<mosaic_0001>
module attributes {stable_mosaic.version = 14 : i64} {
  func.func @_decode_body(%arg0: memref<2x8x16x128xf32, #tpu.memory_space<vmem>>, %arg1: memref<2x5x16x128xf32, #tpu.memory_space<vmem>>) attributes {dimension_semantics = [], scalar_prefetch = 0 : i64, scratch_operands = 0 : i64, tpu.core_type = #tpu.core_type<tc>} {
    %get3A = arith.constant 0 : index
    %get3A_0 = arith.constant 0 : index
    %get3A_1 = arith.constant 0 : index
    %get3A_2 = arith.constant 0 : index
    %get3A_3 = vector.load %arg0[%get3A, %get3A_0, %get3A_1, %get3A_2] : memref<2x8x16x128xf32, #tpu.memory_space<vmem>>, vector<2x1x16x128xf32>
    %get3A_4 = vector.shape_cast %get3A_3 : vector<2x1x16x128xf32> to vector<2x16x128xf32>
    %get3A_5 = arith.constant 0 : index
    %get3A_6 = arith.constant 1 : index
    %get3A_7 = arith.constant 0 : index
    %get3A_8 = arith.constant 0 : index
    %get3A_9 = vector.load %arg0[%get3A_5, %get3A_6, %get3A_7, %get3A_8] : memref<2x8x16x128xf32, #tpu.memory_space<vmem>>, vector<2x1x16x128xf32>
    %get3A_10 = vector.shape_cast %get3A_9 : vector<2x1x16x128xf32> to vector<2x16x128xf32>
    %get3A_11 = arith.constant 0 : index
    %get3A_12 = arith.constant 2 : index
    %get3A_13 = arith.constant 0 : index
    %get3A_14 = arith.constant 0 : index
    %get3A_15 = vector.load %arg0[%get3A_11, %get3A_12, %get3A_13, %get3A_14] : memref<2x8x16x128xf32, #tpu.memory_space<vmem>>, vector<2x1x16x128xf32>
    %get3A_16 = vector.shape_cast %get3A_15 : vector<2x1x16x128xf32> to vector<2x16x128xf32>
    %get3A_17 = arith.constant 0 : index
    %get3A_18 = arith.constant 3 : index
    %get3A_19 = arith.constant 0 : index
    %get3A_20 = arith.constant 0 : index
    %get3A_21 = vector.load %arg0[%get3A_17, %get3A_18, %get3A_19, %get3A_20] : memref<2x8x16x128xf32, #tpu.memory_space<vmem>>, vector<2x1x16x128xf32>
    %get3A_22 = vector.shape_cast %get3A_21 : vector<2x1x16x128xf32> to vector<2x16x128xf32>
    %get3A_23 = arith.constant 0 : index
    %get3A_24 = arith.constant 4 : index
    %get3A_25 = arith.constant 0 : index
    %get3A_26 = arith.constant 0 : index
    %get3A_27 = vector.load %arg0[%get3A_23, %get3A_24, %get3A_25, %get3A_26] : memref<2x8x16x128xf32, #tpu.memory_space<vmem>>, vector<2x1x16x128xf32>
    %get3A_28 = vector.shape_cast %get3A_27 : vector<2x1x16x128xf32> to vector<2x16x128xf32>
    %get3A_29 = arith.constant 0 : index
    %get3A_30 = arith.constant 5 : index
    %get3A_31 = arith.constant 0 : index
    %get3A_32 = arith.constant 0 : index
    %get3A_33 = vector.load %arg0[%get3A_29, %get3A_30, %get3A_31, %get3A_32] : memref<2x8x16x128xf32, #tpu.memory_space<vmem>>, vector<2x1x16x128xf32>
    %get3A_34 = vector.shape_cast %get3A_33 : vector<2x1x16x128xf32> to vector<2x16x128xf32>
    %get3A_35 = arith.constant 0 : index
    %get3A_36 = arith.constant 6 : index
    %get3A_37 = arith.constant 0 : index
    %get3A_38 = arith.constant 0 : index
    %get3A_39 = vector.load %arg0[%get3A_35, %get3A_36, %get3A_37, %get3A_38] : memref<2x8x16x128xf32, #tpu.memory_space<vmem>>, vector<2x1x16x128xf32>
    %get3A_40 = vector.shape_cast %get3A_39 : vector<2x1x16x128xf32> to vector<2x16x128xf32>
    %get3A_41 = arith.constant 0 : index
    %get3A_42 = arith.constant 7 : index
    %get3A_43 = arith.constant 0 : index
    %get3A_44 = arith.constant 0 : index
    %get3A_45 = vector.load %arg0[%get3A_41, %get3A_42, %get3A_43, %get3A_44] : memref<2x8x16x128xf32, #tpu.memory_space<vmem>>, vector<2x1x16x128xf32>
    %get3A_46 = vector.shape_cast %get3A_45 : vector<2x1x16x128xf32> to vector<2x16x128xf32>
    %sub3A = arith.subf %get3A_40, %get3A_28 : vector<2x16x128xf32>
    %add3A = arith.constant 1.000000e+00 : f32
    %add3A_47 = vector.broadcast %add3A : f32 to vector<2x16x128xf32>
    %add3A_48 = arith.addf %sub3A, %add3A_47 : vector<2x16x128xf32>
    %sub3A_49 = arith.subf %get3A_46, %get3A_34 : vector<2x16x128xf32>
    %add3A_50 = arith.constant 1.000000e+00 : f32
    %add3A_51 = vector.broadcast %add3A_50 : f32 to vector<2x16x128xf32>
    %add3A_52 = arith.addf %sub3A_49, %add3A_51 : vector<2x16x128xf32>
    %mul3A = arith.constant 5.000000e-01 : f32
    %mul3A_53 = vector.broadcast %mul3A : f32 to vector<2x16x128xf32>
    %mul3A_54 = arith.mulf %mul3A_53, %add3A_48 : vector<2x16x128xf32>
    %add3A_55 = arith.addf %get3A_28, %mul3A_54 : vector<2x16x128xf32>
    %mul3A_56 = arith.constant 5.000000e-01 : f32
    %mul3A_57 = vector.broadcast %mul3A_56 : f32 to vector<2x16x128xf32>
    %mul3A_58 = arith.mulf %mul3A_57, %add3A_52 : vector<2x16x128xf32>
    %add3A_59 = arith.addf %get3A_34, %mul3A_58 : vector<2x16x128xf32>
    %mul3A_60 = arith.mulf %get3A_4, %add3A_48 : vector<2x16x128xf32>
    %add3A_61 = arith.addf %mul3A_60, %add3A_55 : vector<2x16x128xf32>
    %mul3A_62 = arith.mulf %get3A_10, %add3A_52 : vector<2x16x128xf32>
    %add3A_63 = arith.addf %mul3A_62, %add3A_59 : vector<2x16x128xf32>
    %exp3A = math.exp %get3A_16 : vector<2x16x128xf32>
    %mul3A_64 = arith.mulf %exp3A, %add3A_48 : vector<2x16x128xf32>
    %exp3A_65 = math.exp %get3A_22 : vector<2x16x128xf32>
    %mul3A_66 = arith.mulf %exp3A_65, %add3A_52 : vector<2x16x128xf32>
    %mul3A_67 = arith.constant 5.000000e-01 : f32
    %mul3A_68 = vector.broadcast %mul3A_67 : f32 to vector<2x16x128xf32>
    %mul3A_69 = arith.mulf %mul3A_68, %mul3A_64 : vector<2x16x128xf32>
    %sub3A_70 = arith.subf %add3A_61, %mul3A_69 : vector<2x16x128xf32>
    %jit3A = arith.constant 0.000000e+00 : f32
    %jit3A_71 = arith.constant 1.919000e+03 : f32
    %max3A = vector.broadcast %jit3A : f32 to vector<2x16x128xf32>
    %max3A_72 = arith.maximumf %max3A, %sub3A_70 : vector<2x16x128xf32>
    %min3A = vector.broadcast %jit3A_71 : f32 to vector<2x16x128xf32>
    %min3A_73 = arith.minimumf %min3A, %max3A_72 : vector<2x16x128xf32>
    %mul3A_74 = arith.constant 5.000000e-01 : f32
    %mul3A_75 = vector.broadcast %mul3A_74 : f32 to vector<2x16x128xf32>
    %mul3A_76 = arith.mulf %mul3A_75, %mul3A_66 : vector<2x16x128xf32>
    %sub3A_77 = arith.subf %add3A_63, %mul3A_76 : vector<2x16x128xf32>
    %jit3A_78 = arith.constant 0.000000e+00 : f32
    %jit3A_79 = arith.constant 1.919000e+03 : f32
    %max3A_80 = vector.broadcast %jit3A_78 : f32 to vector<2x16x128xf32>
    %max3A_81 = arith.maximumf %max3A_80, %sub3A_77 : vector<2x16x128xf32>
    %min3A_82 = vector.broadcast %jit3A_79 : f32 to vector<2x16x128xf32>
    %min3A_83 = arith.minimumf %min3A_82, %max3A_81 : vector<2x16x128xf32>
    %mul3A_84 = arith.constant 5.000000e-01 : f32
    %mul3A_85 = vector.broadcast %mul3A_84 : f32 to vector<2x16x128xf32>
    %mul3A_86 = arith.mulf %mul3A_85, %mul3A_64 : vector<2x16x128xf32>
    %add3A_87 = arith.addf %add3A_61, %mul3A_86 : vector<2x16x128xf32>
    %jit3A_88 = arith.constant 0.000000e+00 : f32
    %jit3A_89 = arith.constant 1.919000e+03 : f32
    %max3A_90 = vector.broadcast %jit3A_88 : f32 to vector<2x16x128xf32>
    %max3A_91 = arith.maximumf %max3A_90, %add3A_87 : vector<2x16x128xf32>
    %min3A_92 = vector.broadcast %jit3A_89 : f32 to vector<2x16x128xf32>
    %min3A_93 = arith.minimumf %min3A_92, %max3A_91 : vector<2x16x128xf32>
    %mul3A_94 = arith.constant 5.000000e-01 : f32
    %mul3A_95 = vector.broadcast %mul3A_94 : f32 to vector<2x16x128xf32>
    %mul3A_96 = arith.mulf %mul3A_95, %mul3A_66 : vector<2x16x128xf32>
    %add3A_97 = arith.addf %add3A_63, %mul3A_96 : vector<2x16x128xf32>
    %jit3A_98 = arith.constant 0.000000e+00 : f32
    %jit3A_99 = arith.constant 1.919000e+03 : f32
    %max3A_100 = vector.broadcast %jit3A_98 : f32 to vector<2x16x128xf32>
    %max3A_101 = arith.maximumf %max3A_100, %add3A_97 : vector<2x16x128xf32>
    %min3A_102 = vector.broadcast %jit3A_99 : f32 to vector<2x16x128xf32>
    %min3A_103 = arith.minimumf %min3A_102, %max3A_101 : vector<2x16x128xf32>
    %swap3A = arith.constant 0 : index
    %swap3A_104 = arith.constant 0 : index
    %swap3A_105 = arith.constant 0 : index
    %swap3A_106 = arith.constant 0 : index
    %swap3A_107 = vector.load %arg1[%swap3A, %swap3A_104, %swap3A_105, %swap3A_106] : memref<2x5x16x128xf32, #tpu.memory_space<vmem>>, vector<2x1x16x128xf32>
    %swap3A_108 = vector.shape_cast %swap3A_107 : vector<2x1x16x128xf32> to vector<2x16x128xf32>
    %swap3A_109 = vector.shape_cast %min3A_73 : vector<2x16x128xf32> to vector<2x1x16x128xf32>
    tpu.vector_store %arg1[%swap3A, %swap3A_104, %swap3A_105, %swap3A_106], %swap3A_109 {strides = array<i32>} : memref<2x5x16x128xf32, #tpu.memory_space<vmem>>, vector<2x1x16x128xf32>,
    %swap3A_110 = arith.constant 0 : index
    %swap3A_111 = arith.constant 1 : index
    %swap3A_112 = arith.constant 0 : index
    %swap3A_113 = arith.constant 0 : index
    %swap3A_114 = vector.load %arg1[%swap3A_110, %swap3A_111, %swap3A_112, %swap3A_113] : memref<2x5x16x128xf32, #tpu.memory_space<vmem>>, vector<2x1x16x128xf32>
    %swap3A_115 = vector.shape_cast %swap3A_114 : vector<2x1x16x128xf32> to vector<2x16x128xf32>
    %swap3A_116 = vector.shape_cast %min3A_83 : vector<2x16x128xf32> to vector<2x1x16x128xf32>
    tpu.vector_store %arg1[%swap3A_110, %swap3A_111, %swap3A_112, %swap3A_113], %swap3A_116 {strides = array<i32>} : memref<2x5x16x128xf32, #tpu.memory_space<vmem>>, vector<2x1x16x128xf32>,
    %swap3A_117 = arith.constant 0 : index
    %swap3A_118 = arith.constant 2 : index
    %swap3A_119 = arith.constant 0 : index
    %swap3A_120 = arith.constant 0 : index
    %swap3A_121 = vector.load %arg1[%swap3A_117, %swap3A_118, %swap3A_119, %swap3A_120] : memref<2x5x16x128xf32, #tpu.memory_space<vmem>>, vector<2x1x16x128xf32>
    %swap3A_122 = vector.shape_cast %swap3A_121 : vector<2x1x16x128xf32> to vector<2x16x128xf32>
    %swap3A_123 = vector.shape_cast %min3A_93 : vector<2x16x128xf32> to vector<2x1x16x128xf32>
    tpu.vector_store %arg1[%swap3A_117, %swap3A_118, %swap3A_119, %swap3A_120], %swap3A_123 {strides = array<i32>} : memref<2x5x16x128xf32, #tpu.memory_space<vmem>>, vector<2x1x16x128xf32>,
    %swap3A_124 = arith.constant 0 : index
    %swap3A_125 = arith.constant 3 : index
    %swap3A_126 = arith.constant 0 : index
    %swap3A_127 = arith.constant 0 : index
    %swap3A_128 = vector.load %arg1[%swap3A_124, %swap3A_125, %swap3A_126, %swap3A_127] : memref<2x5x16x128xf32, #tpu.memory_space<vmem>>, vector<2x1x16x128xf32>
    %swap3A_129 = vector.shape_cast %swap3A_128 : vector<2x1x16x128xf32> to vector<2x16x128xf32>
    %swap3A_130 = vector.shape_cast %min3A_103 : vector<2x16x128xf32> to vector<2x1x16x128xf32>
    tpu.vector_store %arg1[%swap3A_124, %swap3A_125, %swap3A_126, %swap3A_127], %swap3A_130 {strides = array<i32>} : memref<2x5x16x128xf32, #tpu.memory_space<vmem>>, vector<2x1x16x128xf32>,
    %sub3A_131 = arith.subf %min3A_93, %min3A_73 : vector<2x16x128xf32>
    %add3A_132 = arith.constant 1.000000e+00 : f32
    %add3A_133 = vector.broadcast %add3A_132 : f32 to vector<2x16x128xf32>
    %add3A_134 = arith.addf %sub3A_131, %add3A_133 : vector<2x16x128xf32>
    %sub3A_135 = arith.subf %min3A_103, %min3A_83 : vector<2x16x128xf32>
    %add3A_136 = arith.constant 1.000000e+00 : f32
    %add3A_137 = vector.broadcast %add3A_136 : f32 to vector<2x16x128xf32>
    %add3A_138 = arith.addf %sub3A_135, %add3A_137 : vector<2x16x128xf32>
    %mul3A_139 = arith.mulf %add3A_134, %add3A_138 : vector<2x16x128xf32>
    %swap3A_140 = arith.constant 0 : index
    %swap3A_141 = arith.constant 4 : index
    %swap3A_142 = arith.constant 0 : index
    %swap3A_143 = arith.constant 0 : index
    %swap3A_144 = vector.load %arg1[%swap3A_140, %swap3A_141, %swap3A_142, %swap3A_143] : memref<2x5x16x128xf32, #tpu.memory_space<vmem>>, vector<2x1x16x128xf32>
    %swap3A_145 = vector.shape_cast %swap3A_144 : vector<2x1x16x128xf32> to vector<2x16x128xf32>
    %swap3A_146 = vector.shape_cast %mul3A_139 : vector<2x16x128xf32> to vector<2x1x16x128xf32>
    tpu.vector_store %arg1[%swap3A_140, %swap3A_141, %swap3A_142, %swap3A_143], %swap3A_146 {strides = array<i32>} : memref<2x5x16x128xf32, #tpu.memory_space<vmem>>, vector<2x1x16x128xf32>,
    return
  }
}

module attributes {stable_mosaic.version = 14 : i64} {
  func.func @_nms_body(%arg0: i32, %arg1: memref<1x5x16x128xf32, #tpu.memory_space<vmem>>, %arg2: memref<1x5x2048xf32, #tpu.memory_space<smem>>, %arg3: memref<1x2048x128xf32, #tpu.memory_space<vmem>>) attributes {dimension_semantics = [#tpu.dimension_semantics<arbitrary>], iteration_bounds = array<i64: 2>, scalar_prefetch = 0 : i64, scratch_operands = 0 : i64, tpu.core_type = #tpu.core_type<tc>, window_params = [{transform_indices = @transform_0, window_bounds = array<i64: 1, 5, 16, 128>}, {transform_indices = @transform_1, window_bounds = array<i64: 1, 5, 2048>}, {transform_indices = @transform_2, window_bounds = array<i64: 1, 2048, 128>}]} {
    %get3A = arith.constant 0 : index
    %get3A_0 = arith.constant 0 : index
    %get3A_1 = arith.constant 0 : index
    %get3A_2 = arith.constant 0 : index
    %get3A_3 = vector.load %arg1[%get3A, %get3A_0, %get3A_1, %get3A_2] : memref<1x5x16x128xf32, #tpu.memory_space<vmem>>, vector<1x1x16x128xf32>
    %get3A_4 = vector.shape_cast %get3A_3 : vector<1x1x16x128xf32> to vector<16x128xf32>
    %get3A_5 = arith.constant 0 : index
    %get3A_6 = arith.constant 1 : index
    %get3A_7 = arith.constant 0 : index
    %get3A_8 = arith.constant 0 : index
    %get3A_9 = vector.load %arg1[%get3A_5, %get3A_6, %get3A_7, %get3A_8] : memref<1x5x16x128xf32, #tpu.memory_space<vmem>>, vector<1x1x16x128xf32>
    %get3A_10 = vector.shape_cast %get3A_9 : vector<1x1x16x128xf32> to vector<16x128xf32>
    %get3A_11 = arith.constant 0 : index
    %get3A_12 = arith.constant 2 : index
    %get3A_13 = arith.constant 0 : index
    %get3A_14 = arith.constant 0 : index
    %get3A_15 = vector.load %arg1[%get3A_11, %get3A_12, %get3A_13, %get3A_14] : memref<1x5x16x128xf32, #tpu.memory_space<vmem>>, vector<1x1x16x128xf32>
    %get3A_16 = vector.shape_cast %get3A_15 : vector<1x1x16x128xf32> to vector<16x128xf32>
    %get3A_17 = arith.constant 0 : index
    %get3A_18 = arith.constant 3 : index
    %get3A_19 = arith.constant 0 : index
    %get3A_20 = arith.constant 0 : index
    %get3A_21 = vector.load %arg1[%get3A_17, %get3A_18, %get3A_19, %get3A_20] : memref<1x5x16x128xf32, #tpu.memory_space<vmem>>, vector<1x1x16x128xf32>
    %get3A_22 = vector.shape_cast %get3A_21 : vector<1x1x16x128xf32> to vector<16x128xf32>
    %get3A_23 = arith.constant 0 : index
    %get3A_24 = arith.constant 4 : index
    %get3A_25 = arith.constant 0 : index
    %get3A_26 = arith.constant 0 : index
    %get3A_27 = vector.load %arg1[%get3A_23, %get3A_24, %get3A_25, %get3A_26] : memref<1x5x16x128xf32, #tpu.memory_space<vmem>>, vector<1x1x16x128xf32>
    %get3A_28 = vector.shape_cast %get3A_27 : vector<1x1x16x128xf32> to vector<16x128xf32>
    %iota3A = tpu.iota {dimensions = array<i32: 0>} : vector<16x128xi32>
    %mul3A = arith.constant 128 : i32
    %mul3A_29 = vector.broadcast %mul3A : i32 to vector<16x128xi32>
    %mul3A_30 = arith.muli %iota3A, %mul3A_29 : vector<16x128xi32>
    %iota3A_31 = tpu.iota {dimensions = array<i32: 1>} : vector<16x128xi32>
    %add3A = arith.addi %mul3A_30, %iota3A_31 : vector<16x128xi32>
    %iota3A_32 = tpu.iota {dimensions = array<i32: 1>} : vector<1x128xi32>
    %lt3A = arith.constant 2000 : i32
    %lt3A_33 = vector.broadcast %lt3A : i32 to vector<16x128xi32>
    %lt3A_34 = arith.cmpi slt, %add3A, %lt3A_33 : vector<16x128xi32>
    %convert_element_type3A = arith.extui %lt3A_34 : vector<16x128xi1> to vector<16x128xi32>
    %convert_element_type3A_35 = arith.sitofp %convert_element_type3A : vector<16x128xi32> to vector<16x128xf32>
    %broadcast_in_dim3A = arith.constant 0.000000e+00 : f32
    %broadcast_in_dim3A_36 = vector.broadcast %broadcast_in_dim3A : f32 to vector<2048x128xf32>
    %swap3A = arith.constant 0 : index
    %swap3A_37 = arith.constant 0 : index
    %swap3A_38 = arith.constant 0 : index
    %swap3A_39 = vector.load %arg3[%swap3A, %swap3A_37, %swap3A_38] : memref<1x2048x128xf32, #tpu.memory_space<vmem>>, vector<1x2048x128xf32>
    %swap3A_40 = vector.shape_cast %swap3A_39 : vector<1x2048x128xf32> to vector<2048x128xf32>
    %swap3A_41 = vector.shape_cast %broadcast_in_dim3A_36 : vector<2048x128xf32> to vector<1x2048x128xf32>
    tpu.vector_store %arg3[%swap3A, %swap3A_37, %swap3A_38], %swap3A_41 {strides = array<i32>} : memref<1x2048x128xf32, #tpu.memory_space<vmem>>, vector<1x2048x128xf32>,
    %scan3A = arith.constant 0 : i32
    %scan3A_42 = arith.constant 0 : i32
    %scan3A_43 = arith.constant 2000 : i32
    %scan3A_44 = arith.addi %scan3A_42, %scan3A_43 : i32
    %scan3A_45 = arith.constant 1 : i32
    %scan3A_46:2 = scf.for %scan3A_48 = %scan3A_42 to %scan3A_44 step %scan3A_45 iter_args(%scan3A_49 = %scan3A, %scan3A_50 = %convert_element_type3A_35) -> (i32, vector<16x128xf32>)  : i32 {
      %get3A_51 = arith.constant 0 : index
      %get3A_52 = arith.constant 0 : index
      %get3A_53 = arith.index_cast %scan3A_48 : i32 to index
      %get3A_54 = memref.load %arg2[%get3A_51, %get3A_52, %get3A_53] : memref<1x5x2048xf32, #tpu.memory_space<smem>>
      %get3A_55 = arith.constant 0 : index
      %get3A_56 = arith.constant 1 : index
      %get3A_57 = arith.index_cast %scan3A_48 : i32 to index
      %get3A_58 = memref.load %arg2[%get3A_55, %get3A_56, %get3A_57] : memref<1x5x2048xf32, #tpu.memory_space<smem>>
      %get3A_59 = arith.constant 0 : index
      %get3A_60 = arith.constant 2 : index
      %get3A_61 = arith.index_cast %scan3A_48 : i32 to index
      %get3A_62 = memref.load %arg2[%get3A_59, %get3A_60, %get3A_61] : memref<1x5x2048xf32, #tpu.memory_space<smem>>
      %get3A_63 = arith.constant 0 : index
      %get3A_64 = arith.constant 3 : index
      %get3A_65 = arith.index_cast %scan3A_48 : i32 to index
      %get3A_66 = memref.load %arg2[%get3A_63, %get3A_64, %get3A_65] : memref<1x5x2048xf32, #tpu.memory_space<smem>>
      %get3A_67 = arith.constant 0 : index
      %get3A_68 = arith.constant 4 : index
      %get3A_69 = arith.index_cast %scan3A_48 : i32 to index
      %get3A_70 = memref.load %arg2[%get3A_67, %get3A_68, %get3A_69] : memref<1x5x2048xf32, #tpu.memory_space<smem>>
      %eq3A = vector.broadcast %scan3A_48 : i32 to vector<16x128xi32>
      %eq3A_71 = arith.cmpi eq, %add3A, %eq3A : vector<16x128xi32>
      %convert_element_type3A_72 = arith.extui %eq3A_71 : vector<16x128xi1> to vector<16x128xi32>
      %convert_element_type3A_73 = arith.sitofp %convert_element_type3A_72 : vector<16x128xi32> to vector<16x128xf32>
      %mul3A_74 = arith.mulf %scan3A_50, %convert_element_type3A_73 : vector<16x128xf32>
      %reduce_sum3A = vector.shape_cast %mul3A_74 : vector<16x128xf32> to vector<1x16x128xf32>
      %reduce_sum3A_75 = arith.constant dense<0.000000e+00> : vector<1xf32>
      %reduce_sum3A_76 = vector.multi_reduction <add>, %reduce_sum3A, %reduce_sum3A_75 [1, 2] : vector<1x16x128xf32> to vector<1xf32>
      %reduce_sum3A_77 = vector.shape_cast %reduce_sum3A_76 : vector<1xf32> to vector<1x1x1xf32>
      %reduce_sum3A_78 = vector.extract %reduce_sum3A_77[0, 0, 0] : f32 from vector<1x1x1xf32>
      %gt3A = arith.constant 5.000000e-01 : f32
      %gt3A_79 = arith.cmpf ogt, %reduce_sum3A_78, %gt3A : f32
      %min3A = vector.broadcast %get3A_62 : f32 to vector<16x128xf32>
      %min3A_80 = arith.minimumf %get3A_16, %min3A : vector<16x128xf32>
      %max3A = vector.broadcast %get3A_54 : f32 to vector<16x128xf32>
      %max3A_81 = arith.maximumf %get3A_4, %max3A : vector<16x128xf32>
      %sub3A = arith.subf %min3A_80, %max3A_81 : vector<16x128xf32>
      %add3A_82 = arith.constant 1.000000e+00 : f32
      %add3A_83 = vector.broadcast %add3A_82 : f32 to vector<16x128xf32>
      %add3A_84 = arith.addf %sub3A, %add3A_83 : vector<16x128xf32>
      %max3A_85 = arith.constant 0.000000e+00 : f32
      %max3A_86 = vector.broadcast %max3A_85 : f32 to vector<16x128xf32>
      %max3A_87 = arith.maximumf %add3A_84, %max3A_86 : vector<16x128xf32>
      %min3A_88 = vector.broadcast %get3A_66 : f32 to vector<16x128xf32>
      %min3A_89 = arith.minimumf %get3A_22, %min3A_88 : vector<16x128xf32>
      %max3A_90 = vector.broadcast %get3A_58 : f32 to vector<16x128xf32>
      %max3A_91 = arith.maximumf %get3A_10, %max3A_90 : vector<16x128xf32>
      %sub3A_92 = arith.subf %min3A_89, %max3A_91 : vector<16x128xf32>
      %add3A_93 = arith.constant 1.000000e+00 : f32
      %add3A_94 = vector.broadcast %add3A_93 : f32 to vector<16x128xf32>
      %add3A_95 = arith.addf %sub3A_92, %add3A_94 : vector<16x128xf32>
      %max3A_96 = arith.constant 0.000000e+00 : f32
      %max3A_97 = vector.broadcast %max3A_96 : f32 to vector<16x128xf32>
      %max3A_98 = arith.maximumf %add3A_95, %max3A_97 : vector<16x128xf32>
      %mul3A_99 = arith.mulf %max3A_87, %max3A_98 : vector<16x128xf32>
      %add3A_100 = vector.broadcast %get3A_70 : f32 to vector<16x128xf32>
      %add3A_101 = arith.addf %add3A_100, %get3A_28 : vector<16x128xf32>
      %sub3A_102 = arith.subf %add3A_101, %mul3A_99 : vector<16x128xf32>
      %div3A = arith.divf %mul3A_99, %sub3A_102 : vector<16x128xf32>
      %gt3A_103 = arith.constant 6.000000e-01 : f32
      %gt3A_104 = vector.broadcast %gt3A_103 : f32 to vector<16x128xf32>
      %gt3A_105 = arith.cmpf ogt, %div3A, %gt3A_104 : vector<16x128xf32>
      %gt3A_106 = vector.broadcast %scan3A_48 : i32 to vector<16x128xi32>
      %gt3A_107 = arith.cmpi sgt, %add3A, %gt3A_106 : vector<16x128xi32>
      %and3A = arith.andi %gt3A_105, %gt3A_107 : vector<16x128xi1>
      %and3A_108 = vector.broadcast %gt3A_79 : i1 to vector<16x128xi1>
      %and3A_109 = arith.andi %and3A, %and3A_108 : vector<16x128xi1>
      %jit3A = arith.constant 0.000000e+00 : f32
      %broadcast_in_dim3A_110 = vector.broadcast %jit3A : f32 to vector<16x128xf32>
      %select_n3A = arith.select %and3A_109, %broadcast_in_dim3A_110, %scan3A_50 : vector<16x128xi1>, vector<16x128xf32>
      %eq3A_111 = arith.constant 0 : i32
      %eq3A_112 = vector.broadcast %eq3A_111 : i32 to vector<1x128xi32>
      %eq3A_113 = arith.cmpi eq, %iota3A_32, %eq3A_112 : vector<1x128xi32>
      %eq3A_114 = arith.constant 1 : i32
      %eq3A_115 = vector.broadcast %eq3A_114 : i32 to vector<1x128xi32>
      %eq3A_116 = arith.cmpi eq, %iota3A_32, %eq3A_115 : vector<1x128xi32>
      %eq3A_117 = arith.constant 2 : i32
      %eq3A_118 = vector.broadcast %eq3A_117 : i32 to vector<1x128xi32>
      %eq3A_119 = arith.cmpi eq, %iota3A_32, %eq3A_118 : vector<1x128xi32>
      %eq3A_120 = arith.constant 3 : i32
      %eq3A_121 = vector.broadcast %eq3A_120 : i32 to vector<1x128xi32>
      %eq3A_122 = arith.cmpi eq, %iota3A_32, %eq3A_121 : vector<1x128xi32>
      %jit3A_123 = arith.constant 0.000000e+00 : f32
      %broadcast_in_dim3A_124 = vector.broadcast %get3A_66 : f32 to vector<1x128xf32>
      %broadcast_in_dim3A_125 = vector.broadcast %jit3A_123 : f32 to vector<1x128xf32>
      %select_n3A_126 = arith.select %eq3A_122, %broadcast_in_dim3A_124, %broadcast_in_dim3A_125 : vector<1x128xi1>, vector<1x128xf32>
      %broadcast_in_dim3A_127 = vector.broadcast %get3A_62 : f32 to vector<1x128xf32>
      %select_n3A_128 = arith.select %eq3A_119, %broadcast_in_dim3A_127, %select_n3A_126 : vector<1x128xi1>, vector<1x128xf32>
      %broadcast_in_dim3A_129 = vector.broadcast %get3A_58 : f32 to vector<1x128xf32>
      %select_n3A_130 = arith.select %eq3A_116, %broadcast_in_dim3A_129, %select_n3A_128 : vector<1x128xi1>, vector<1x128xf32>
      %broadcast_in_dim3A_131 = vector.broadcast %get3A_54 : f32 to vector<1x128xf32>
      %select_n3A_132 = arith.select %eq3A_113, %broadcast_in_dim3A_131, %select_n3A_130 : vector<1x128xi1>, vector<1x128xf32>
      %mul3A_133 = vector.broadcast %reduce_sum3A_78 : f32 to vector<1x128xf32>
      %mul3A_134 = arith.mulf %select_n3A_132, %mul3A_133 : vector<1x128xf32>
      %swap3A_135 = arith.constant 0 : index
      %swap3A_136 = arith.index_cast %scan3A_49 : i32 to index
      %swap3A_137 = arith.constant 0 : index
      %swap3A_138 = vector.load %arg3[%swap3A_135, %swap3A_136, %swap3A_137] : memref<1x2048x128xf32, #tpu.memory_space<vmem>>, vector<1x1x128xf32>
      %swap3A_139 = vector.shape_cast %swap3A_138 : vector<1x1x128xf32> to vector<1x128xf32>
      %swap3A_140 = vector.shape_cast %mul3A_134 : vector<1x128xf32> to vector<1x1x128xf32>
      tpu.vector_store %arg3[%swap3A_135, %swap3A_136, %swap3A_137], %swap3A_140 {strides = array<i32>} : memref<1x2048x128xf32, #tpu.memory_space<vmem>>, vector<1x1x128xf32>,
      %convert_element_type3A_141 = arith.extui %gt3A_79 : i1 to i32
      %add3A_142 = arith.addi %scan3A_49, %convert_element_type3A_141 : i32
      scf.yield %add3A_142, %select_n3A : i32, vector<16x128xf32>
    }
    %scan3A_47 = arith.constant 2000 : i32
    return
  }
  func.func @transform_0(%arg0: i32) -> (i32, i32, i32, i32) {
    %c0_i32 = arith.constant 0 : i32
    %c0_i32_0 = arith.constant 0 : i32
    %c0_i32_1 = arith.constant 0 : i32
    %c0_i32_2 = arith.constant 0 : i32
    return %arg0, %c0_i32, %c0_i32_0, %c0_i32_1 : i32, i32, i32, i32
  }
  func.func @transform_1(%arg0: i32) -> (i32, i32, i32) {
    %c0_i32 = arith.constant 0 : i32
    %c0_i32_0 = arith.constant 0 : i32
    %c0_i32_1 = arith.constant 0 : i32
    return %arg0, %c0_i32, %c0_i32_0 : i32, i32, i32
  }
  func.func @transform_2(%arg0: i32) -> (i32, i32, i32) {
    %c0_i32 = arith.constant 0 : i32
    %c0_i32_0 = arith.constant 0 : i32
    %c0_i32_1 = arith.constant 0 : i32
    return %arg0, %c0_i32, %c0_i32_0 : i32, i32, i32
  }
}

</mosaic_0001>

<sc_bundles>
// kernel: gather_offload_async_start.1
scs
__scs_entry_jumppad:
0x0: {  	(pc) =	sbr.rel $0x88, $3  }
0x1: {  	(tag) =	ssettag $0x0;
	lr =	simm.s32 $0x1  }
0x2: {  	[smem:$0x3F9F] =	sst lr;
	_ =	strace $0xD0000000  }
0x3: {  	_ = 	snop  }
0x4: {  	_ = 	snop  }
0x5: {  	_ = 	snop  }
0x6: {  	_ = 	snop  }
0x7: {  	_ = 	snop  }
__scs_overlays_trampoline_lowered:
0x8: {  	[smem:$0x3FAE] =	sst s0  }
0x9: {  	[smem:$0x3FAF] =	sst s1  }
0xa: {  	[smem:$0x3FB0] =	sst s2  }
0xb: {  	[smem:$0x3FB1] =	sst s3  }
0xc: {  	[smem:$0x3FB2] =	sst s4  }
0xd: {  	[smem:$0x3FB3] =	sst s5  }
0xe: {  	[smem:$0x3FB4] =	sst s6  }
0xf: {  	[smem:$0x3FB5] =	sst s7  }
0x10: {  	[smem:$0x3FB6] =	sst s8  }
0x11: {  	[smem:$0x3FB7] =	sst s9;
	s0 =	simm.s32 @!p0 $0x0  }
0x12: {  	s1 =	sld [smem:$0x3F9D];
	s0 =	simm.s32 @p0 $0x1  }
0x13: {  	[smem:$0x3FB8] =	sst s0;
	s0 =	simm.s32 @!p1 $0x0  }
0x14: {  	s2 =	sld [smem:$0x3F9C];
	s0 =	simm.s32 @p1 $0x1  }
0x15: {  	[smem:$0x3FB9] =	sst s0;
	s0 =	simm.s32 @!p2 $0x0  }
0x16: {  	s3 =	sld [smem:$0x3FDB];
	s0 =	simm.s32 @p2 $0x1  }
0x17: {  	s4 =	simm.s32 $0x1BF5;
	[smem:$0x3FBB] =	sst s0  }
0x18: {  	s0 =	sld [smem:$0x3F9E];
	_ =	swait.ge [sflag:s4], $0x0  }
0x19: {  	s7 =	sld [smem:$0x3F9F]  }
0x1a: {  	s8 =	sadd.s32 $0xFFFFE003, lr  }
0x1b: {  	s9 =	sadd.s32 $0xFFFFFEF7, lr;
	s5 =	simm.s32 $0xFFFFFFFF;
	p2 =	slt.u32 s8, $0xFFFFF086  }
0x1c: {  	p1 =	slt.u32 s9, $0xF7A;
	s5 =	simm.s32 @!p2 $0x0  }
0x1d: {  	s5 =	simm.s32 @p1 $0x1;
	p0 =	seq.s32 s7, s2  }
0x1e: {  	s7 =	smul.u32 @!p0 $0xF7A, s2;
	p2 =	seq.s32 @!p0 s5, $0x0  }
0x1f: {  	s9 =	smul.u32 $0xF7A, s1;
	s8 =	simm.s32 @!p0 $0x1BF5;
	p2 =	por !p2, p0  }
0x20: {  	[sflag:s8] =	ssyncset.s32 @!p0 $0xFFFFF086;
	s6 =	sadd.s32 @!p0 s3, s7;
	s7 =	simm.s32 @!p0 $0x108  }
0x21: {  	s3 =	sadd.s32 s3, s9;
	s6 =	sadd.s32 @!p0 $0x88, s6;
	s7 =	simm.s32 @p2 $0x1082  }
0x22: {  	[simem:s7], [sflag:s8] =	dma.local @!p0 [hbm:s6], $0xF7A  }
0x23: {  	s9 =	sor.u32 $0xD0000000, s2;
	s6 =	simm.s32 $0x108;
	_ =	swait.ge @!p0 [sflag:s8], $0x0  }
0x24: {  	s3 =	sadd.s32 $0x88, s3;
	s6 =	simm.s32 @!p1 $0x1082;
	[sflag:s4] =	ssyncset.s32 $0xFFFFF086  }
0x25: {  	[simem:s6], [sflag:s4] =	dma.local [hbm:s3], $0xF7A  }
0x26: {  	[smem:$0x3F9F] =	sst s1;
	(tag) =	ssettag s2;
	_ =	strace s9  }
0x27: {  	s1 =	sld [smem:$0x3FAF]  }
0x28: {  	s2 =	sld [smem:$0x3FB0]  }
0x29: {  	s4 =	sld [smem:$0x3FB2]  }
0x2a: {  	p0 =	seq.s32 s5, $0x0;
	s5 =	sld [smem:$0x3FB3]  }
0x2b: {  	s6 =	sld [smem:$0x3FB4]  }
0x2c: {  	s7 =	sld [smem:$0x3FB5]  }
0x2d: {  	s3 =	simm.s32 $0x108;
	s8 =	sld [smem:$0x3FB6]  }
0x2e: {  	s3 =	simm.s32 @!p0 $0x1082;
	s9 =	sld [smem:$0x3FB7]  }
0x2f: {  	lr =	sadd.s32 s0, s3;
	s0 =	sld [smem:$0x3FAE]  }
0x30: {  	s3 =	sld [smem:$0x3FB1]  }
0x31: {  	[smem:$0x3FBA] =	sst s10  }
0x32: {  	s10 =	sld [smem:$0x3FB8];
	_ =	sdelay $0x3  }
0x33: {  	p0 =	seq.s32 s10, $0x1;
	s10 =	sld [smem:$0x3FBA];
	_ =	sdelay $0x3  }
0x34: {  	[smem:$0x3FBA] =	sst s10  }
0x35: {  	s10 =	sld [smem:$0x3FB9];
	_ =	sdelay $0x3  }
0x36: {  	p1 =	seq.s32 s10, $0x1;
	s10 =	sld [smem:$0x3FBA];
	_ =	sdelay $0x3  }
0x37: {  	[smem:$0x3FBA] =	sst s10  }
0x38: {  	s10 =	sld [smem:$0x3FBB]  }
0x39: {  	_ = 	snop;
	(pc) =	sbr.ind lr, $3  }
0x3a: {  	_ = 	snop  }
0x3b: {  	_ = 	snop  }
0x3c: {  	p2 =	seq.s32 s10, $0x1;
	s10 =	sld [smem:$0x3FBA]  }
0x3d: {  	_ =	shalt  }
0x3e: {  	_ =	shalt  }
0x3f: {  	_ =	shalt  }
0x40: {  	_ =	shalt  }
0x41: {  	_ =	shalt  }
0x42: {  	_ =	shalt  }
0x43: {  	_ =	shalt  }
0x44: {  	_ =	shalt  }
0x45: {  	_ =	shalt  }
0x46: {  	_ =	shalt  }
0x47: {  	_ =	shalt  }
0x48: {  	_ =	shalt  }
0x49: {  	_ =	shalt  }
0x4a: {  	_ =	shalt  }
0x4b: {  	_ =	shalt  }
0x4c: {  	_ =	shalt  }
0x4d: {  	_ =	shalt  }
0x4e: {  	_ =	shalt  }
0x4f: {  	_ =	shalt  }
0x50: {  	_ =	shalt  }
0x51: {  	_ =	shalt  }
0x52: {  	_ =	shalt  }
0x53: {  	_ =	shalt  }
0x54: {  	_ =	shalt  }
0x55: {  	_ =	shalt  }
0x56: {  	_ =	shalt  }
0x57: {  	_ =	shalt  }
0x58: {  	_ =	shalt  }
0x59: {  	_ =	shalt  }
0x5a: {  	_ =	shalt  }
0x5b: {  	_ =	shalt  }
0x5c: {  	_ =	shalt  }
0x5d: {  	_ =	shalt  }
0x5e: {  	_ =	shalt  }
0x5f: {  	_ =	shalt  }
0x60: {  	_ =	shalt  }
0x61: {  	_ =	shalt  }
0x62: {  	_ =	shalt  }
0x63: {  	_ =	shalt  }
0x64: {  	_ =	shalt  }
0x65: {  	_ =	shalt  }
0x66: {  	_ =	shalt  }
0x67: {  	_ =	shalt  }
0x68: {  	_ =	shalt  }
0x69: {  	_ =	shalt  }
0x6a: {  	_ =	shalt  }
0x6b: {  	_ =	shalt  }
0x6c: {  	_ =	shalt  }
0x6d: {  	_ =	shalt  }
0x6e: {  	_ =	shalt  }
0x6f: {  	_ =	shalt  }
0x70: {  	_ =	shalt  }
0x71: {  	_ =	shalt  }
0x72: {  	_ =	shalt  }
0x73: {  	_ =	shalt  }
0x74: {  	_ =	shalt  }
0x75: {  	_ =	shalt  }
0x76: {  	_ =	shalt  }
0x77: {  	_ =	shalt  }
0x78: {  	_ =	shalt  }
0x79: {  	_ =	shalt  }
0x7a: {  	_ =	shalt  }
0x7b: {  	_ =	shalt  }
0x7c: {  	_ =	shalt  }
0x7d: {  	_ =	shalt  }
0x7e: {  	_ =	shalt  }
0x7f: {  	_ =	shalt  }
0x80: {  	_ =	shalt  }
0x81: {  	_ =	shalt  }
0x82: {  	_ =	shalt  }
0x83: {  	_ =	shalt  }
0x84: {  	_ =	shalt  }
0x85: {  	_ =	shalt  }
0x86: {  	_ =	shalt  }
0x87: {  	_ =	shalt  }
.Lfunc_end0:
.L_simem_size_0:
called_computation.1_lowered:
.L_overlay_start_0:
0x88: {  	s2 =	sld [smem:$0x3FD9]  }
0x89: {  	s3 =	sld [smem:$0x3FFE];
	_ =	sdelay $0x1  }
0x8a: {  	s1 =	srdreg.scid  }
0x8b: {  	s0 =	sand.u32 $0x1, s1  }
0x8c: {  	s17 =	sshll.u32 s0, $0xA;
	s2 =	sadd.s32 s3, s2  }
0x8d: {  	s2 =	sadd.s32 s2, s17  }
0x8e: {  	[smem:$0x3FC6] =	sst s2  }
0x8f: {  	_ = 	snop  }
0x90: {  	(tm) =	ssettm $0x1  }
0x91: {  	s18 =	sld [smem:$0x3FFB];
	_ =	sdelay $0x3  }
0x92: {  	_ =	strace s18  }
0x93: {  	s2 =	sld [smem:$0x3FFC];
	_ =	sdelay $0x3  }
0x94: {  	_ =	strace s2  }
0x95: {  	s2 =	sld [smem:$0x3FFD];
	_ =	sdelay $0x3  }
0x96: {  	_ =	strace s2  }
0x97: {  	_ =	strace $0x8FFFFFFF  }
0x98: {  	s19 =	sld [smem:$0x3FDB];
	_ =	sdelay $0x1  }
0x99: {  	s20 =	simm.s32 $_scs_section_size  }
0x9a: {  	s4 =	simm.s32 $_size__tile_overlayer_lowered;
	s5 =	simm.s32 $_tile_overlayer_lowered  }
0x9b: {  	s6 =	simm.s32 $0x1BFF;
	s21 =	sshll.u32 s5, $0x1;
	s3 =	sadd.s32 s20, s19  }
0x9c: {  	s22 =	simm.s32 $0x0;
	s4 =	sshll.u32 s4, $0x1;
	s5 =	sadd.s32 s21, s3  }
0x9d: {  	[timem:s22], [sflag:s6] =	dma.local [hbm:s5], s4  }
0x9e: {  	_ =	swait.ge [sflag:s6], s4  }
0x9f: {  	s4 =	ssub.s32 $0x0, s4;
	[sflag:s6] =	ssyncset.done $0x0  }
0xa0: {  	[sflag:s6] =	ssyncadd.s32 s4;
	_ =	sdelay $0x1  }
0xa1: {  	s23 =	simm.s32 $0x1B8B  }
0xa2: {  	_ =	swait.ge [sflag:s23], $0x1  }
0xa3: {  	[sflag:s23] =	ssyncset.done $0x0  }
0xa4: {  	[sflag:s23] =	ssyncadd.s32 $0xFFFFFFFF  }
0xa5: {  	s4 =	sld [smem:$0x0]  }
0xa6: {  	s5 =	sand.u32 $0xFFFFFFFE, s1  }
0xa7: {  	p0 =	sne.s32 s1, s5  }
0xa8: {  	s5 =	sshll.u32 @p0 s5, $0xE  }
0xa9: {  	s5 =	sadd.s32 @p0 $0x11B8D, s5;
	s6 =	sshll.u32 @p0 s4, $0x11  }
0xaa: {  	s5 =	sor.u32 @p0 s6, s5  }
0xab: {  	[sflag:s5] =	ssyncadd.remote.s32 @p0 $0x1;
	_ =	sdelay $0x1  }
0xac: {  	s5 =	simm.s32 @p0 $0x1B8D  }
0xad: {  	_ =	swait.eq @p0 [sflag:s5], $0x1  }
0xae: {  	[sflag:s5] =	ssyncadd.s32 @p0 $0xFFFFFFFF  }
0xaf: {  	s6 =	sshll.u32 @!p0 s1, $0xE  }
0xb0: {  	s6 =	sor.u32 @!p0 $0x4000, s6;
	s5 =	simm.s32 @!p0 $0x1B8D  }
0xb1: {  	s4 =	sshll.u32 @!p0 s4, $0x11;
	s6 =	sadd.s32 @!p0 $0x11B8D, s6;
	_ =	swait.eq @!p0 [sflag:s5], $0x1  }
0xb2: {  	s4 =	sor.u32 @!p0 s4, s6;
	[sflag:s5] =	ssyncadd.s32 @!p0 $0xFFFFFFFF  }
0xb3: {  	s25 =	simm.s32 $0x1B8E;
	s24 =	sld [smem:$0x3FFE];
	[sflag:s4] =	ssyncadd.remote.s32 @!p0 $0x1  }
0xb4: {  	s26 =	simm.s32 $execute0_lowered;
	[smem:$0x3FD2] =	sst s25  }
0xb5: {  	s5 =	sshll.u32 s26, $0x1;
	_ =	strace $0x80000049;
	[dreg:$0x1] =	wrdreg $0xFFFFFFFF  }
0xb6: {  	s28 =	simm.s32 $_size_execute0_lowered;
	s3 =	sadd.s32 s3, s5;
	[dreg:$0x0] =	wrdreg $0x0  }
0xb7: {  	s5 =	sshll.u32 s28, $0x1;
	[dreg:$0x2] =	wrdreg s3  }
0xb8: {  	[dreg:$0x3] =	wrdreg s5  }
0xb9: {  	[dreg:$0x4] =	wrdreg $0xC0  }
0xba: {  	_ =	task [dreg:s22], $0x5FFFF  }
0xbb: {  	[dreg:$0x1] =	wrdreg $0xFFFFFFFF  }
0xbc: {  	[dreg:$0x0] =	wrdreg $0x60  }
0xbd: {  	[dreg:$0x2] =	wrdreg s24  }
0xbe: {  	[dreg:$0x3] =	wrdreg $0xA  }
0xbf: {  	_ =	task.clear_ibuf [dreg:s22], $0x4FFFF;
	_ =	strace $0x90000049  }
0xc0: {  	s29 =	simm.s32 $0xA;
	_ =	strace $0x8000004B  }
0xc1: {  	_ =	swait.ge [sflag:s29], $0x1  }
0xc2: {  	[sflag:s29] =	ssyncadd.s32 $0xFFFFFFFF  }
0xc3: {  	_ =	strace $0x9000004B  }
0xc4: {  	_ =	sfence  }
0xc5: {  	s30 =	sld [smem:$0x0];
	_ =	sdelay $0x2  }
0xc6: {  	s31 =	sshll.u32 s1, $0xD;
	s1 =	sshrl.u32 s1, $0x2  }
0xc7: {  	s4 =	sand.u32 $0x4000, s31;
	s1 =	sadd.s32 s1, s30  }
0xc8: {  	s0 =	sor.u32 s4, s0;
	s1 =	sshll.u32 s1, $0x11  }
0xc9: {  	s0 =	sor.u32 s1, s0  }
0xca: {  	s0 =	sadd.s32 $0x8F2B, s0  }
0xcb: {  	[sflag:s0] =	ssyncadd.remote.s32 $0x1  }
0xcc: {  	_ =	sfence.sel $0xFFFF  }
0xcd: {  	[dreg:$0x0] =	wrdreg $0xFFFFFFFF;
	(pc) =	sbr.abs _section_cstart, $3  }
0xce: {  	[dreg:$0x1] =	wrdreg $0xFFFFFFFF  }
0xcf: {  	_ =	task.clear_ibuf [dreg:s22], $0x2FFFF;
	_ =	strace $0x9FFFFFFF  }
0xd0: {  	(tm) =	ssettm $0x7FFFFFFF  }
0xd1: {  	_ =	shalt  }
tec
execute0_lowered:
.L_overlay_start_1:
0x0: {  	(tag) =	ssettag $0x1  }
0x1: {  	s0 =	srdreg.scid  }
0x2: {  	s1 =	sshll.u32 s0, $0x4  }
0x3: {  	s0 =	stileid.u32;
	s1 =	sand.u32 $0x10, s1  }
0x4: {  	s1 =	sor.u32 s0, s1  }
0x5: {  	s2 =	smin.u32 s1, $0x12  }
0x6: {  	s2 =	sadd.s32 s1, s2  }
0x7: {  	p0 =	slt.u32 s1, $0x12;
	s1 =	simm.s32 $0xA0;
	s2 =	smul.u32 $0x50, s2  }
0x8: {  	s1 =	simm.s32 @!p0 $0x50  }
0x9: {  	s1 =	sadd.s32 s1, s2  }
0xa: {  	s3 =	smin.u32 s1, $0xFA0  }
0xb: {  	s7 =	ssub.s32 s3, s2  }
0xc: {  	p0 =	sgt.s32 s7, $0x0  }
0xd: {  	s7 =	simm.s32 @!p0 $0x0  }
0xe: {  	s4 =	smul.u32 $0xCCCD, s7  }
0xf: {  	s9 =	rddreg [dreg:$0x0];
	s6 =	simm.s32 $0x1;
	s11 =	simm.s32 $0x3  }
0x10: {  	s13 =	simm.s32 $0x0;
	s12 =	simm.s32 $0x0;
	s8 =	sshrl.u32 s4, $0x16  }
0x11: {  	s1 =	rddreg [dreg:$0x1];
	_ =	strace $0x8000004A;
	s10 =	smul.u32 $0x50, s8  }
.Ltmp0:
0x12: {  	s5 =	sadd.s32 $0x209E00, s9;
	[sflag:s6] =	ssyncpa.u1 $0x0;
	(pc) =	sbr.rel .LBB2_1-.Ltmp0, $4  }
0x13: {  	s4 =	sadd.s32 $0x20A000, s9;
	p0 =	sne.s32 s7, s10;
	s10 =	simm.s32 $0x1  }
0x14: {  	s9 =	sadd.s32 $0x5FE800, s9;
	s7 =	simm.s32 $0x2;
	s10 =	simm.s32 @!p0 $0x0  }
0x15: {  	[sflag:s7] =	ssyncpa.u1 $0x0;
	p0 =	por $0x0, $0x0;
	s8 =	sadd.s32 s8, s10  }
0x16: {  	v0 =	vimm.s32 $0x0;
	vm0 =	vmmov $0xff;
	vm1 =	vcmask $0x3F20;
	[sflag:s11] =	ssyncpa.u1 $0x0;
	s11 =	smov.u32 s2;
	s10 =	sadd.s32 $0x1, s8  }
.LBB2_6:
0x17: {  	[hbm:s17] =	stream.linear.scatter [tilespmem:s14], [sflag:$0x3], $0x400, $0x38;
	[tilespmem:$0x50A0] =	vst v63  }
.LBB2_7:
0x18: {  	s13 =	sadd.s32 $0x50, s11  }
0x19: {  	s15 =	smov.u32 s2;
	p2 =	slt.s32 s13, s3  }
0x1a: {  	s15 =	smov.u32 @p2 s13;
	p2 =	sne.s32 s12, s10  }
.Ltmp1:
0x1b: {  	p1 =	slt.u32 s12, $0x2;
	(pc) =	sbr.rel @!p2 .LBB2_8-.Ltmp1, $4  }
0x1c: {  	s14 =	simm.s32 @!p1 $0x3  }
0x1d: {  	s16 =	sadd.s32 $0x1, s12;
	_ =	swait.ge @!p1 [sflag:s14], $0x2800  }
0x1e: {  	p0 =	por !p0, !p0;
	s13 =	smov.u32 s11;
	[sflag:s14] =	ssyncset.done @!p1 $0x0  }
0x1f: {  	s12 =	smov.u32 s16;
	s11 =	smov.u32 s15;
	[sflag:s14] =	ssyncadd.s32 @!p1 $0xFFFFD800  }
.LBB2_1:
0x20: {  	p1 =	sge.u32 s12, s8  }
0x21: {  	s14 =	sxor.u32 @!p1 $0xFFFFFFFF, s12  }
0x22: {  	s14 =	sand.u32 @!p1 $0x1, s14  }
0x23: {  	s14 =	smul.u32 @!p1 $0x140, s14  }
0x24: {  	s31 =	sadd.s32 $0xFFFFFFFF, s12;
	s15 =	sshrl.u32 @!p1 s11, $0x3  }
0x25: {  	s16 =	sand.u32 @!p1 $0x7, s11;
	s15 =	sadd.s32 @!p1 s5, s15;
	s14 =	sshrl.u32 @!p1 s14, $0x2  }
0x26: {  	[tilespmem:s14], [sflag:$0x2] =	stream.linear.gather @!p1 [hbm4b:s15+s16], $0x50, $0x38;
	[tilespmem:$0x50A0] =	vst v63  }
0x27: {  	p1 =	sge.u32 s31, s8  }
.Ltmp2:
0x28: {  	_ = 	snop;
	(pc) =	sbr.rel @p1 .LBB2_7-.Ltmp2, $1  }
0x29: {  	_ =	sdelay $0x3  }
0x2a: {  	s14 =	simm.s32 $0x1  }
0x2b: {  	s14 =	simm.s32 @!p0 $0x0  }
0x2c: {  	s15 =	smul.u32 $0x140, s14  }
0x2d: {  	_ =	swait.ge [sflag:s7], $0x50  }
0x2e: {  	[sflag:s7] =	ssyncset.done $0x0;
	s16 =	sshrl.u32 s15, $0x2  }
0x2f: {  	[sflag:s7] =	ssyncadd.s32 $0xFFFFFFB0;
	s15 =	sadd.s32 $0x0, s16  }
0x30: {  	v1 =	vld.msk [tilespmem:s15+$0x0 ss:$0x1], $0xffff;
	_ =	sdelay $0x4  }
0x31: {  	v2 =	vand.u32 $0x1, v1;
	v3 =	vshll.u32 v1, $0x6  }
0x32: {  	vm2 =	veq.s32 v1, $0x80000000;
	vm3 =	veq.s32 v2, $0x1;
	v1 =	vand.u32 $0xFFFF80, v3  }
0x33: {  	v2 =	vsel vm3, $0xFD2000, v0;
	v1 =	vsel vm2, $0xFFFFFF80, v1  }
0x34: {  	v2 =	vsel vm2, $0xFF02E000, v2;
	v3 =	vand.u32 $0xFFFFFC00, v1  }
0x35: {  	v1 =	vand.u32 $0x380, v1;
	v2 =	vadd.s32 v2, v3  }
0x36: {  	v1 =	vor.u32 v1, v2  }
0x37: {  	v1 =	vshrl.u32 v1, $0x3  }
0x38: {  	s14 =	smul.u32 $0xA000, s14;
	_ =	sdelay $0x1  }
0x39: {  	s14 =	sshrl.u32 s14, $0x2  }
0x3a: {  	s14 =	sor.u32 $0xA0, s14  }
0x3b: {  	[tilespmem:s14], [sflag:$0x1] =	stream.indirect_vreg.gather [hbm:s4], $0x80, v1, vm0, $0x38;
	[tilespmem:$0x50A0] =	vst v63  }
0x3c: {  	s17 =	sadd.s32 $0x10, s16;
	s15 =	sadd.s32 $0x400, s14  }
0x3d: {  	[tilespmem:s15], [sflag:$0x1] =	stream.indirect_vreg.gather [hbm:s4], $0x80, v1, vm1, $0x38;
	[tilespmem:$0x50A0] =	vst v63  }
0x3e: {  	s18 =	simm.s32 $0x80;
	v1 =	vld.msk [tilespmem:s17+$0x0 ss:$0x1], $0xffff;
	s17 =	smov.u32 s14  }
.LBB2_3:
0x3f: {  	p1 =	sne.s32 s18, $0x100;
	_ =	sdelay $0x4  }
0x40: {  	v2 =	vand.u32 $0x1, v1;
	v3 =	vshll.u32 v1, $0x6  }
0x41: {  	vm2 =	veq.s32 v1, $0x80000000;
	vm3 =	veq.s32 v2, $0x1;
	v1 =	vand.u32 $0xFFFF80, v3  }
0x42: {  	v2 =	vsel vm3, $0xFD2000, v0;
	v1 =	vsel vm2, $0xFFFFFF80, v1  }
0x43: {  	v2 =	vsel vm2, $0xFF02E000, v2;
	v3 =	vand.u32 $0xFFFFFC00, v1  }
0x44: {  	v1 =	vand.u32 $0x380, v1;
	v2 =	vadd.s32 v2, v3  }
0x45: {  	v1 =	vor.u32 v1, v2  }
0x46: {  	v1 =	vshrl.u32 v1, $0x3;
	_ =	sdelay $0x3  }
.Ltmp3:
0x47: {  	s19 =	sshra.s32 s18, $0x2;
	s17 =	sadd.s32 $0x800, s17;
	(pc) =	sbr.rel @p1 .LBB2_3-.Ltmp3, $4  }
0x48: {  	[tilespmem:s17], [sflag:$0x1] =	stream.indirect_vreg.gather [hbm:s4], $0x80, v1, vm0, $0x38;
	[tilespmem:$0x50A0] =	vst v63  }
0x49: {  	s19 =	sadd.s32 s19, s16;
	s20 =	sadd.s32 $0x400, s17  }
0x4a: {  	[tilespmem:s20], [sflag:$0x1] =	stream.indirect_vreg.gather [hbm:s4], $0x80, v1, vm1, $0x38;
	[tilespmem:$0x50A0] =	vst v63  }
0x4b: {  	s18 =	sadd.s32 $0x40, s18;
	v1 =	vld.msk [tilespmem:s19+$0x0 ss:$0x1], $0xffff  }
0x4c: {  	_ =	sdelay $0x3  }
0x4d: {  	v2 =	vand.u32 $0x1, v1;
	v3 =	vshll.u32 v1, $0x6  }
0x4e: {  	vm2 =	veq.s32 v1, $0x80000000;
	vm3 =	veq.s32 v2, $0x1;
	v1 =	vand.u32 $0xFFFF80, v3  }
0x4f: {  	v2 =	vsel vm3, $0xFD2000, v0;
	v1 =	vsel vm2, $0xFFFFFF80, v1  }
0x50: {  	v2 =	vsel vm2, $0xFF02E000, v2;
	v3 =	vand.u32 $0xFFFFFC00, v1  }
0x51: {  	v1 =	vand.u32 $0x380, v1;
	v2 =	vadd.s32 v2, v3  }
0x52: {  	v1 =	vor.u32 v1, v2  }
0x53: {  	v1 =	vshrl.u32 v1, $0x3;
	_ =	sdelay $0x3  }
0x54: {  	s16 =	sadd.s32 $0x800, s17  }
0x55: {  	[tilespmem:s16], [sflag:$0x1] =	stream.indirect_vreg.gather [hbm:s4], $0x80, v1, vm0, $0x38;
	[tilespmem:$0x50A0] =	vst v63  }
0x56: {  	s16 =	sadd.s32 $0x400, s16  }
0x57: {  	[tilespmem:s16], [sflag:$0x1] =	stream.indirect_vreg.gather [hbm:s4], $0x80, v1, vm1, $0x38;
	[tilespmem:$0x50A0] =	vst v63  }
0x58: {  	s13 =	sshll.u32 s13, $0x4;
	_ =	swait.ge [sflag:s6], $0x2800  }
0x59: {  	s13 =	sadd.s32 s13, s9;
	[sflag:s6] =	ssyncset.done $0x0  }
0x5a: {  	s17 =	sadd.s32 $0x0, s13;
	s16 =	simm.s32 $0x80;
	[sflag:s6] =	ssyncadd.s32 $0xFFFFD800  }
.LBB2_5:
0x5b: {  	[hbm:s17] =	stream.linear.scatter [tilespmem:s14], [sflag:$0x3], $0x400, $0x38;
	[tilespmem:$0x50A0] =	vst v63  }
0x5c: {  	s17 =	smov.u32 s16;
	s14 =	smov.u32 s15;
	p1 =	sne.s32 s16, $0x480  }
.Ltmp4:
0x5d: {  	s16 =	sadd.s32 $0x80, s16;
	(pc) =	sbr.rel @p1 .LBB2_5-.Ltmp4, $2  }
0x5e: {  	_ =	sdelay $0x2  }
0x5f: {  	s15 =	sadd.s32 $0x400, s15;
	s17 =	sadd.s32 s17, s13  }
.Ltmp5:
0x60: {  	_ = 	snop;
	(pc) =	sbr.rel .LBB2_6-.Ltmp5, $1  }
0x61: {  	_ =	sdelay $0x3  }
.LBB2_8:
0x62: {  	_ =	sfence.sel $0x180000  }
0x63: {  	s2 =	simm.s32 $0x2;
	[bflag:$0x0] =	sbarrier.arrive $0xFFFF  }
0x64: {  	s30 =	simm.s32 $0x3;
	[sflag:s2] =	ssyncpa.u1 $0x1  }
0x65: {  	s31 =	simm.s32 $0x1;
	[sflag:s30] =	ssyncpa.u1 $0x1  }
0x66: {  	[sflag:s31] =	ssyncpa.u1 $0x1  }
0x67: {  	p0 =	sne.s32 s0, $0x0;
	_ =	strace $0x9000004A  }
0x68: {  	s0 =	sadd.s32 @!p0 $0x100000, s1;
	[bflag:$0x2] =	sbarrier.arrive $0xFFFF  }
0x69: {  	[sflag:s0] =	ssyncadd.tile.s32 @!p0 $0x1;
	_ =	shalt  }
.Lfunc_end2:
_tile_overlayer_lowered:
.L_overlay_start_2:
0x6a: {  	(tag) =	ssettag $0x2  }
0x6b: {  	s0 =	rddreg [dreg:$0x0];
	s2 =	stileid.u32  }
0x6c: {  	s1 =	rddreg [dreg:$0x1];
	p0 =	sne.s32 s2, $0x0  }
0x6d: {  	s3 =	rddreg [dreg:$0x2];
	[bflag:$0x3] =	sbarrier.arrive $0xFFFF;
	s2 =	simm.s32 @!p0 $0x1C01  }
0x6e: {  	[timem:s3], [sflag:s2] =	dma.local @!p0 [hbm:s0], s1  }
0x6f: {  	s0 =	simm.s32 @!p0 $0x1  }
0x70: {  	_ =	swait.ge @!p0 [sflag:s0], s1  }
0x71: {  	s1 =	ssub.s32 @!p0 $0x0, s1;
	[sflag:s0] =	ssyncset.done @!p0 $0x0  }
0x72: {  	[sflag:s0] =	ssyncadd.s32 @!p0 s1  }
0x73: {  	[bflag:$0x3] =	sbarrier.arrive $0xFFFF  }
0x74: {  	_ =	shalt  }

// kernel: gather_offload_async_start
scs
__scs_entry_jumppad:
0x0: {  	(pc) =	sbr.rel $0x88, $3  }
0x1: {  	(tag) =	ssettag $0x0;
	lr =	simm.s32 $0x1  }
0x2: {  	[smem:$0x3F9F] =	sst lr;
	_ =	strace $0xD0000000  }
0x3: {  	_ = 	snop  }
0x4: {  	_ = 	snop  }
0x5: {  	_ = 	snop  }
0x6: {  	_ = 	snop  }
0x7: {  	_ = 	snop  }
__scs_overlays_trampoline_lowered:
0x8: {  	[smem:$0x3FAE] =	sst s0  }
0x9: {  	[smem:$0x3FAF] =	sst s1  }
0xa: {  	[smem:$0x3FB0] =	sst s2  }
0xb: {  	[smem:$0x3FB1] =	sst s3  }
0xc: {  	[smem:$0x3FB2] =	sst s4  }
0xd: {  	[smem:$0x3FB3] =	sst s5  }
0xe: {  	[smem:$0x3FB4] =	sst s6  }
0xf: {  	[smem:$0x3FB5] =	sst s7  }
0x10: {  	[smem:$0x3FB6] =	sst s8  }
0x11: {  	[smem:$0x3FB7] =	sst s9;
	s0 =	simm.s32 @!p0 $0x0  }
0x12: {  	s1 =	sld [smem:$0x3F9D];
	s0 =	simm.s32 @p0 $0x1  }
0x13: {  	[smem:$0x3FB8] =	sst s0;
	s0 =	simm.s32 @!p1 $0x0  }
0x14: {  	s2 =	sld [smem:$0x3F9C];
	s0 =	simm.s32 @p1 $0x1  }
0x15: {  	[smem:$0x3FB9] =	sst s0;
	s0 =	simm.s32 @!p2 $0x0  }
0x16: {  	s3 =	sld [smem:$0x3FDB];
	s0 =	simm.s32 @p2 $0x1  }
0x17: {  	s4 =	simm.s32 $0x1BF5;
	[smem:$0x3FBB] =	sst s0  }
0x18: {  	s0 =	sld [smem:$0x3F9E];
	_ =	swait.ge [sflag:s4], $0x0  }
0x19: {  	s7 =	sld [smem:$0x3F9F]  }
0x1a: {  	s8 =	sadd.s32 $0xFFFFE003, lr  }
0x1b: {  	s9 =	sadd.s32 $0xFFFFFEF7, lr;
	s5 =	simm.s32 $0xFFFFFFFF;
	p2 =	slt.u32 s8, $0xFFFFF086  }
0x1c: {  	p1 =	slt.u32 s9, $0xF7A;
	s5 =	simm.s32 @!p2 $0x0  }
0x1d: {  	s5 =	simm.s32 @p1 $0x1;
	p0 =	seq.s32 s7, s2  }
0x1e: {  	s7 =	smul.u32 @!p0 $0xF7A, s2;
	p2 =	seq.s32 @!p0 s5, $0x0  }
0x1f: {  	s9 =	smul.u32 $0xF7A, s1;
	s8 =	simm.s32 @!p0 $0x1BF5;
	p2 =	por !p2, p0  }
0x20: {  	[sflag:s8] =	ssyncset.s32 @!p0 $0xFFFFF086;
	s6 =	sadd.s32 @!p0 s3, s7;
	s7 =	simm.s32 @!p0 $0x108  }
0x21: {  	s3 =	sadd.s32 s3, s9;
	s6 =	sadd.s32 @!p0 $0x88, s6;
	s7 =	simm.s32 @p2 $0x1082  }
0x22: {  	[simem:s7], [sflag:s8] =	dma.local @!p0 [hbm:s6], $0xF7A  }
0x23: {  	s9 =	sor.u32 $0xD0000000, s2;
	s6 =	simm.s32 $0x108;
	_ =	swait.ge @!p0 [sflag:s8], $0x0  }
0x24: {  	s3 =	sadd.s32 $0x88, s3;
	s6 =	simm.s32 @!p1 $0x1082;
	[sflag:s4] =	ssyncset.s32 $0xFFFFF086  }
0x25: {  	[simem:s6], [sflag:s4] =	dma.local [hbm:s3], $0xF7A  }
0x26: {  	[smem:$0x3F9F] =	sst s1;
	(tag) =	ssettag s2;
	_ =	strace s9  }
0x27: {  	s1 =	sld [smem:$0x3FAF]  }
0x28: {  	s2 =	sld [smem:$0x3FB0]  }
0x29: {  	s4 =	sld [smem:$0x3FB2]  }
0x2a: {  	p0 =	seq.s32 s5, $0x0;
	s5 =	sld [smem:$0x3FB3]  }
0x2b: {  	s6 =	sld [smem:$0x3FB4]  }
0x2c: {  	s7 =	sld [smem:$0x3FB5]  }
0x2d: {  	s3 =	simm.s32 $0x108;
	s8 =	sld [smem:$0x3FB6]  }
0x2e: {  	s3 =	simm.s32 @!p0 $0x1082;
	s9 =	sld [smem:$0x3FB7]  }
0x2f: {  	lr =	sadd.s32 s0, s3;
	s0 =	sld [smem:$0x3FAE]  }
0x30: {  	s3 =	sld [smem:$0x3FB1]  }
0x31: {  	[smem:$0x3FBA] =	sst s10  }
0x32: {  	s10 =	sld [smem:$0x3FB8];
	_ =	sdelay $0x3  }
0x33: {  	p0 =	seq.s32 s10, $0x1;
	s10 =	sld [smem:$0x3FBA];
	_ =	sdelay $0x3  }
0x34: {  	[smem:$0x3FBA] =	sst s10  }
0x35: {  	s10 =	sld [smem:$0x3FB9];
	_ =	sdelay $0x3  }
0x36: {  	p1 =	seq.s32 s10, $0x1;
	s10 =	sld [smem:$0x3FBA];
	_ =	sdelay $0x3  }
0x37: {  	[smem:$0x3FBA] =	sst s10  }
0x38: {  	s10 =	sld [smem:$0x3FBB]  }
0x39: {  	_ = 	snop;
	(pc) =	sbr.ind lr, $3  }
0x3a: {  	_ = 	snop  }
0x3b: {  	_ = 	snop  }
0x3c: {  	p2 =	seq.s32 s10, $0x1;
	s10 =	sld [smem:$0x3FBA]  }
0x3d: {  	_ =	shalt  }
0x3e: {  	_ =	shalt  }
0x3f: {  	_ =	shalt  }
0x40: {  	_ =	shalt  }
0x41: {  	_ =	shalt  }
0x42: {  	_ =	shalt  }
0x43: {  	_ =	shalt  }
0x44: {  	_ =	shalt  }
0x45: {  	_ =	shalt  }
0x46: {  	_ =	shalt  }
0x47: {  	_ =	shalt  }
0x48: {  	_ =	shalt  }
0x49: {  	_ =	shalt  }
0x4a: {  	_ =	shalt  }
0x4b: {  	_ =	shalt  }
0x4c: {  	_ =	shalt  }
0x4d: {  	_ =	shalt  }
0x4e: {  	_ =	shalt  }
0x4f: {  	_ =	shalt  }
0x50: {  	_ =	shalt  }
0x51: {  	_ =	shalt  }
0x52: {  	_ =	shalt  }
0x53: {  	_ =	shalt  }
0x54: {  	_ =	shalt  }
0x55: {  	_ =	shalt  }
0x56: {  	_ =	shalt  }
0x57: {  	_ =	shalt  }
0x58: {  	_ =	shalt  }
0x59: {  	_ =	shalt  }
0x5a: {  	_ =	shalt  }
0x5b: {  	_ =	shalt  }
0x5c: {  	_ =	shalt  }
0x5d: {  	_ =	shalt  }
0x5e: {  	_ =	shalt  }
0x5f: {  	_ =	shalt  }
0x60: {  	_ =	shalt  }
0x61: {  	_ =	shalt  }
0x62: {  	_ =	shalt  }
0x63: {  	_ =	shalt  }
0x64: {  	_ =	shalt  }
0x65: {  	_ =	shalt  }
0x66: {  	_ =	shalt  }
0x67: {  	_ =	shalt  }
0x68: {  	_ =	shalt  }
0x69: {  	_ =	shalt  }
0x6a: {  	_ =	shalt  }
0x6b: {  	_ =	shalt  }
0x6c: {  	_ =	shalt  }
0x6d: {  	_ =	shalt  }
0x6e: {  	_ =	shalt  }
0x6f: {  	_ =	shalt  }
0x70: {  	_ =	shalt  }
0x71: {  	_ =	shalt  }
0x72: {  	_ =	shalt  }
0x73: {  	_ =	shalt  }
0x74: {  	_ =	shalt  }
0x75: {  	_ =	shalt  }
0x76: {  	_ =	shalt  }
0x77: {  	_ =	shalt  }
0x78: {  	_ =	shalt  }
0x79: {  	_ =	shalt  }
0x7a: {  	_ =	shalt  }
0x7b: {  	_ =	shalt  }
0x7c: {  	_ =	shalt  }
0x7d: {  	_ =	shalt  }
0x7e: {  	_ =	shalt  }
0x7f: {  	_ =	shalt  }
0x80: {  	_ =	shalt  }
0x81: {  	_ =	shalt  }
0x82: {  	_ =	shalt  }
0x83: {  	_ =	shalt  }
0x84: {  	_ =	shalt  }
0x85: {  	_ =	shalt  }
0x86: {  	_ =	shalt  }
0x87: {  	_ =	shalt  }
.Lfunc_end0:
.L_simem_size_0:
called_computation_lowered:
.L_overlay_start_0:
0x88: {  	s2 =	sld [smem:$0x3FD9]  }
0x89: {  	s3 =	sld [smem:$0x3FFE];
	_ =	sdelay $0x1  }
0x8a: {  	s1 =	srdreg.scid  }
0x8b: {  	s0 =	sand.u32 $0x1, s1  }
0x8c: {  	s17 =	sshll.u32 s0, $0xA;
	s2 =	sadd.s32 s3, s2  }
0x8d: {  	s2 =	sadd.s32 s2, s17  }
0x8e: {  	[smem:$0x3FC6] =	sst s2  }
0x8f: {  	_ = 	snop  }
0x90: {  	s2 =	sld [smem:$0x3FD0];
	(tm) =	ssettm $0x1  }
0x91: {  	s18 =	sld [smem:$0x3FFB];
	_ =	sdelay $0x3  }
0x92: {  	_ =	strace s18  }
0x93: {  	s3 =	sld [smem:$0x3FFC];
	_ =	sdelay $0x3  }
0x94: {  	_ =	strace s3  }
0x95: {  	s3 =	sld [smem:$0x3FFD];
	_ =	sdelay $0x3  }
0x96: {  	_ =	strace s3  }
0x97: {  	_ =	strace $0x8FFFFFFF  }
0x98: {  	s19 =	sld [smem:$0x3FDB];
	_ =	sdelay $0x1  }
0x99: {  	s4 =	simm.s32 $_scs_section_size  }
0x9a: {  	s5 =	simm.s32 $_size__tile_overlayer_lowered;
	s6 =	simm.s32 $_tile_overlayer_lowered  }
0x9b: {  	s22 =	simm.s32 $0x1BFF;
	s21 =	sshll.u32 s6, $0x1;
	s3 =	sadd.s32 s4, s19  }
0x9c: {  	s7 =	simm.s32 $0x0;
	s20 =	sshll.u32 s5, $0x1;
	s5 =	sadd.s32 s21, s3  }
0x9d: {  	[timem:s7], [sflag:s22] =	dma.local [hbm:s5], s20  }
0x9e: {  	_ =	swait.ge [sflag:s22], s20  }
0x9f: {  	s4 =	ssub.s32 $0x0, s20;
	[sflag:s22] =	ssyncset.done $0x0  }
0xa0: {  	[sflag:s22] =	ssyncadd.s32 s4;
	_ =	sdelay $0x1  }
0xa1: {  	s23 =	simm.s32 $0x1B8B  }
0xa2: {  	_ =	swait.ge [sflag:s23], $0x1  }
0xa3: {  	[sflag:s23] =	ssyncset.done $0x0  }
0xa4: {  	s25 =	simm.s32 $0x1B8E;
	s24 =	sld [smem:$0x3FFE];
	[sflag:s23] =	ssyncadd.s32 $0xFFFFFFFF  }
0xa5: {  	s26 =	simm.s32 $execute0_lowered;
	[smem:$0x3FD2] =	sst s25  }
0xa6: {  	s5 =	sshll.u32 s26, $0x1;
	_ =	strace $0x80000046;
	[dreg:$0x1] =	wrdreg $0xFFFFFFFF  }
0xa7: {  	s28 =	simm.s32 $_size_execute0_lowered;
	s3 =	sadd.s32 s3, s5;
	[dreg:$0x0] =	wrdreg $0x0  }
0xa8: {  	s5 =	sshll.u32 s28, $0x1;
	[dreg:$0x2] =	wrdreg s3  }
0xa9: {  	[dreg:$0x3] =	wrdreg s5  }
0xaa: {  	[dreg:$0x4] =	wrdreg $0xC0  }
0xab: {  	_ =	task [dreg:s7], $0x5FFFF  }
0xac: {  	[dreg:$0x1] =	wrdreg $0xFFFFFFFF  }
0xad: {  	[dreg:$0x0] =	wrdreg $0x60  }
0xae: {  	[dreg:$0x2] =	wrdreg s24  }
0xaf: {  	[dreg:$0x3] =	wrdreg s2  }
0xb0: {  	[dreg:$0x4] =	wrdreg $0x9  }
0xb1: {  	_ =	task.clear_ibuf [dreg:s7], $0x5FFFF;
	_ =	strace $0x90000046  }
0xb2: {  	s29 =	simm.s32 $0x9;
	_ =	strace $0x80000048  }
0xb3: {  	_ =	swait.ge [sflag:s29], $0x1  }
0xb4: {  	[sflag:s29] =	ssyncadd.s32 $0xFFFFFFFF  }
0xb5: {  	_ =	strace $0x90000048  }
0xb6: {  	_ =	sfence  }
0xb7: {  	s30 =	sld [smem:$0x0];
	_ =	sdelay $0x2  }
0xb8: {  	s31 =	sshll.u32 s1, $0xD;
	s1 =	sshrl.u32 s1, $0x2  }
0xb9: {  	s3 =	sand.u32 $0x4000, s31;
	s1 =	sadd.s32 s1, s30  }
0xba: {  	s0 =	sor.u32 s3, s0;
	s1 =	sshll.u32 s1, $0x11  }
0xbb: {  	s0 =	sor.u32 s1, s0  }
0xbc: {  	s0 =	sadd.s32 $0x8F2B, s0  }
0xbd: {  	[sflag:s0] =	ssyncadd.remote.s32 $0x1  }
0xbe: {  	_ =	sfence.sel $0xFFFF  }
0xbf: {  	[dreg:$0x0] =	wrdreg $0xFFFFFFFF;
	(pc) =	sbr.abs _section_cstart, $3  }
0xc0: {  	[dreg:$0x1] =	wrdreg $0xFFFFFFFF  }
0xc1: {  	_ =	task.clear_ibuf [dreg:s7], $0x2FFFF;
	_ =	strace $0x9FFFFFFF  }
0xc2: {  	(tm) =	ssettm $0x7FFFFFFF  }
0xc3: {  	_ =	shalt  }
tec
execute0_lowered:
.L_overlay_start_1:
0x0: {  	(tag) =	ssettag $0x1  }
0x1: {  	s0 =	srdreg.scid  }
0x2: {  	s1 =	sshll.u32 s0, $0x4  }
0x3: {  	s0 =	stileid.u32;
	s1 =	sand.u32 $0x10, s1  }
0x4: {  	s2 =	sor.u32 s0, s1  }
0x5: {  	s1 =	smin.u32 s2, $0x12  }
0x6: {  	s1 =	sadd.s32 s2, s1  }
0x7: {  	p0 =	slt.u32 s2, $0x12;
	s2 =	simm.s32 $0xA0;
	s1 =	smul.u32 $0x50, s1  }
0x8: {  	s2 =	simm.s32 @!p0 $0x50  }
0x9: {  	s2 =	sadd.s32 s2, s1  }
0xa: {  	s3 =	smin.u32 s2, $0xFA0  }
0xb: {  	s7 =	ssub.s32 s3, s1  }
0xc: {  	p0 =	sgt.s32 s7, $0x0  }
0xd: {  	s7 =	simm.s32 @!p0 $0x0  }
0xe: {  	s4 =	rddreg [dreg:$0x0];
	s31 =	smul.u32 $0xCCCD, s7  }
0xf: {  	s5 =	rddreg [dreg:$0x1]  }
0x10: {  	s6 =	simm.s32 $0x1;
	s10 =	simm.s32 $0x3;
	s8 =	sshrl.u32 s31, $0x16  }
0x11: {  	s13 =	simm.s32 $0x0;
	s12 =	simm.s32 $0x0;
	s9 =	smul.u32 $0x50, s8  }
.Ltmp0:
0x12: {  	s11 =	smov.u32 s1;
	s2 =	rddreg [dreg:$0x2];
	(pc) =	sbr.rel .LBB2_1-.Ltmp0, $4  }
0x13: {  	_ =	strace $0x80000047;
	p0 =	sne.s32 s7, s9;
	s9 =	simm.s32 $0x1  }
0x14: {  	[sflag:s6] =	ssyncpa.u1 $0x0;
	s7 =	simm.s32 $0x2;
	s9 =	simm.s32 @!p0 $0x0  }
0x15: {  	[sflag:s7] =	ssyncpa.u1 $0x0;
	p0 =	por $0x0, $0x0;
	s8 =	sadd.s32 s8, s9  }
0x16: {  	vm0 =	vmmov $0xff;
	vm1 =	vcmask $0x3F20;
	s9 =	sadd.s32 $0x1FA400, s4;
	[sflag:s10] =	ssyncpa.u1 $0x0;
	s10 =	sadd.s32 $0x1, s8  }
.LBB2_6:
0x17: {  	[hbm:s17] =	stream.linear.scatter [tilespmem:s14], [sflag:$0x3], $0x400, $0x38;
	[tilespmem:$0x50A0] =	vst v63  }
.LBB2_7:
0x18: {  	s13 =	sadd.s32 $0x50, s11  }
0x19: {  	s15 =	smov.u32 s1;
	p2 =	slt.s32 s13, s3  }
0x1a: {  	s15 =	smov.u32 @p2 s13;
	p2 =	sne.s32 s12, s10  }
.Ltmp1:
0x1b: {  	p1 =	slt.u32 s12, $0x2;
	(pc) =	sbr.rel @!p2 .LBB2_8-.Ltmp1, $4  }
0x1c: {  	s14 =	simm.s32 @!p1 $0x3  }
0x1d: {  	s16 =	sadd.s32 $0x1, s12;
	_ =	swait.ge @!p1 [sflag:s14], $0x2800  }
0x1e: {  	p0 =	por !p0, !p0;
	s13 =	smov.u32 s11;
	[sflag:s14] =	ssyncset.done @!p1 $0x0  }
0x1f: {  	s12 =	smov.u32 s16;
	s11 =	smov.u32 s15;
	[sflag:s14] =	ssyncadd.s32 @!p1 $0xFFFFD800  }
.LBB2_1:
0x20: {  	p1 =	sge.u32 s12, s8  }
0x21: {  	s14 =	sxor.u32 @!p1 $0xFFFFFFFF, s12  }
0x22: {  	s14 =	sand.u32 @!p1 $0x1, s14  }
0x23: {  	s14 =	smul.u32 @!p1 $0x140, s14  }
0x24: {  	s31 =	sadd.s32 $0xFFFFFFFF, s12;
	s15 =	sshrl.u32 @!p1 s11, $0x3  }
0x25: {  	s16 =	sand.u32 @!p1 $0x7, s11;
	s15 =	sadd.s32 @!p1 s5, s15;
	s14 =	sshrl.u32 @!p1 s14, $0x2  }
0x26: {  	[tilespmem:s14], [sflag:$0x2] =	stream.linear.gather @!p1 [hbm4b:s15+s16], $0x50, $0x38;
	[tilespmem:$0x50A0] =	vst v63  }
0x27: {  	p1 =	sge.u32 s31, s8  }
.Ltmp2:
0x28: {  	_ = 	snop;
	(pc) =	sbr.rel @p1 .LBB2_7-.Ltmp2, $1  }
0x29: {  	_ =	sdelay $0x3  }
0x2a: {  	s14 =	simm.s32 $0x1  }
0x2b: {  	s14 =	simm.s32 @!p0 $0x0  }
0x2c: {  	s15 =	smul.u32 $0x140, s14  }
0x2d: {  	_ =	swait.ge [sflag:s7], $0x50  }
0x2e: {  	[sflag:s7] =	ssyncset.done $0x0;
	s16 =	sshrl.u32 s15, $0x2  }
0x2f: {  	[sflag:s7] =	ssyncadd.s32 $0xFFFFFFB0;
	s15 =	sadd.s32 $0x0, s16  }
0x30: {  	v0 =	vld.msk [tilespmem:s15+$0x0 ss:$0x1], $0xffff;
	_ =	sdelay $0x4  }
0x31: {  	vm2 =	vgt.s32 v0, $0x0  }
0x32: {  	v0 =	vnsel vm2, $0x0, v0  }
0x33: {  	v0 =	vmin.u32 v0, $0x1FA3F  }
0x34: {  	v0 =	vshll.u32 v0, $0x4  }
0x35: {  	s14 =	smul.u32 $0xA000, s14;
	_ =	sdelay $0x1  }
0x36: {  	s14 =	sshrl.u32 s14, $0x2  }
0x37: {  	s14 =	sor.u32 $0xA0, s14  }
0x38: {  	[tilespmem:s14], [sflag:$0x1] =	stream.indirect_vreg.gather [hbm:s4], $0x80, v0, vm0, $0x38;
	[tilespmem:$0x50A0] =	vst v63  }
0x39: {  	s17 =	sadd.s32 $0x10, s16;
	s15 =	sadd.s32 $0x400, s14  }
0x3a: {  	[tilespmem:s15], [sflag:$0x1] =	stream.indirect_vreg.gather [hbm:s4], $0x80, v0, vm1, $0x38;
	[tilespmem:$0x50A0] =	vst v63  }
0x3b: {  	s18 =	simm.s32 $0x80;
	v0 =	vld.msk [tilespmem:s17+$0x0 ss:$0x1], $0xffff;
	s17 =	smov.u32 s14  }
.LBB2_3:
0x3c: {  	p1 =	sne.s32 s18, $0x100;
	_ =	sdelay $0x4  }
0x3d: {  	vm2 =	vgt.s32 v0, $0x0  }
0x3e: {  	v0 =	vnsel vm2, $0x0, v0  }
0x3f: {  	v0 =	vmin.u32 v0, $0x1FA3F  }
0x40: {  	v0 =	vshll.u32 v0, $0x4;
	_ =	sdelay $0x3  }
.Ltmp3:
0x41: {  	s19 =	sshra.s32 s18, $0x2;
	s17 =	sadd.s32 $0x800, s17;
	(pc) =	sbr.rel @p1 .LBB2_3-.Ltmp3, $4  }
0x42: {  	[tilespmem:s17], [sflag:$0x1] =	stream.indirect_vreg.gather [hbm:s4], $0x80, v0, vm0, $0x38;
	[tilespmem:$0x50A0] =	vst v63  }
0x43: {  	s19 =	sadd.s32 s19, s16;
	s20 =	sadd.s32 $0x400, s17  }
0x44: {  	[tilespmem:s20], [sflag:$0x1] =	stream.indirect_vreg.gather [hbm:s4], $0x80, v0, vm1, $0x38;
	[tilespmem:$0x50A0] =	vst v63  }
0x45: {  	s18 =	sadd.s32 $0x40, s18;
	v0 =	vld.msk [tilespmem:s19+$0x0 ss:$0x1], $0xffff  }
0x46: {  	_ =	sdelay $0x3  }
0x47: {  	vm2 =	vgt.s32 v0, $0x0  }
0x48: {  	v0 =	vnsel vm2, $0x0, v0  }
0x49: {  	v0 =	vmin.u32 v0, $0x1FA3F  }
0x4a: {  	v0 =	vshll.u32 v0, $0x4;
	_ =	sdelay $0x3  }
0x4b: {  	s16 =	sadd.s32 $0x800, s17  }
0x4c: {  	[tilespmem:s16], [sflag:$0x1] =	stream.indirect_vreg.gather [hbm:s4], $0x80, v0, vm0, $0x38;
	[tilespmem:$0x50A0] =	vst v63  }
0x4d: {  	s16 =	sadd.s32 $0x400, s16  }
0x4e: {  	[tilespmem:s16], [sflag:$0x1] =	stream.indirect_vreg.gather [hbm:s4], $0x80, v0, vm1, $0x38;
	[tilespmem:$0x50A0] =	vst v63  }
0x4f: {  	s13 =	sshll.u32 s13, $0x4;
	_ =	swait.ge [sflag:s6], $0x2800  }
0x50: {  	s13 =	sadd.s32 s13, s9;
	[sflag:s6] =	ssyncset.done $0x0  }
0x51: {  	s17 =	sadd.s32 $0x0, s13;
	s16 =	simm.s32 $0x80;
	[sflag:s6] =	ssyncadd.s32 $0xFFFFD800  }
.LBB2_5:
0x52: {  	[hbm:s17] =	stream.linear.scatter [tilespmem:s14], [sflag:$0x3], $0x400, $0x38;
	[tilespmem:$0x50A0] =	vst v63  }
0x53: {  	s17 =	smov.u32 s16;
	s14 =	smov.u32 s15;
	p1 =	sne.s32 s16, $0x480  }
.Ltmp4:
0x54: {  	s16 =	sadd.s32 $0x80, s16;
	(pc) =	sbr.rel @p1 .LBB2_5-.Ltmp4, $2  }
0x55: {  	_ =	sdelay $0x2  }
0x56: {  	s15 =	sadd.s32 $0x400, s15;
	s17 =	sadd.s32 s17, s13  }
.Ltmp5:
0x57: {  	_ = 	snop;
	(pc) =	sbr.rel .LBB2_6-.Ltmp5, $1  }
0x58: {  	_ =	sdelay $0x3  }
.LBB2_8:
0x59: {  	_ =	sfence.sel $0x180000  }
0x5a: {  	s1 =	simm.s32 $0x2;
	[bflag:$0x0] =	sbarrier.arrive $0xFFFF  }
0x5b: {  	s30 =	simm.s32 $0x3;
	[sflag:s1] =	ssyncpa.u1 $0x1  }
0x5c: {  	s31 =	simm.s32 $0x1;
	[sflag:s30] =	ssyncpa.u1 $0x1  }
0x5d: {  	[sflag:s31] =	ssyncpa.u1 $0x1  }
0x5e: {  	p0 =	sne.s32 s0, $0x0;
	_ =	strace $0x90000047  }
0x5f: {  	s0 =	sadd.s32 @!p0 $0x100000, s2;
	[bflag:$0x2] =	sbarrier.arrive $0xFFFF  }
0x60: {  	[sflag:s0] =	ssyncadd.tile.s32 @!p0 $0x1;
	_ =	shalt  }
.Lfunc_end2:
_tile_overlayer_lowered:
.L_overlay_start_2:
0x61: {  	(tag) =	ssettag $0x2  }
0x62: {  	s0 =	rddreg [dreg:$0x0];
	s2 =	stileid.u32  }
0x63: {  	s1 =	rddreg [dreg:$0x1];
	p0 =	sne.s32 s2, $0x0  }
0x64: {  	s3 =	rddreg [dreg:$0x2];
	[bflag:$0x3] =	sbarrier.arrive $0xFFFF;
	s2 =	simm.s32 @!p0 $0x1C01  }
0x65: {  	[timem:s3], [sflag:s2] =	dma.local @!p0 [hbm:s0], s1  }
0x66: {  	s0 =	simm.s32 @!p0 $0x1  }
0x67: {  	_ =	swait.ge @!p0 [sflag:s0], s1  }
0x68: {  	s1 =	ssub.s32 @!p0 $0x0, s1;
	[sflag:s0] =	ssyncset.done @!p0 $0x0  }
0x69: {  	[sflag:s0] =	ssyncadd.s32 @!p0 s1  }
0x6a: {  	[bflag:$0x3] =	sbarrier.arrive $0xFFFF  }
0x6b: {  	_ =	shalt  }

</sc_bundles>
